<compile_context>
chip_gen: v7x
topology: tpu7x:2x2x1
jax: 0.10.2.dev20260603
libtpu: 0.0.44.dev20260713+nightly
codegen_flags: <defaults>
</compile_context>

<pallas_src>
import functools

import jax
import jax.numpy as jnp
from jax import lax
from jax.experimental import pallas as pl
from jax.experimental.pallas import tpu as pltpu
from jax.experimental.pallas import tpu_sc as plsc

NC = 2
NS = 16
NW = NC * NS
LANE = 128
RING = 2
HALVES = 2


def _tc_scale1(x_pad, W1, histp, npad, d):
    grid = npad // 256

    def body(x_ref, w_ref, hp_ref, s_ref, dis_ref):
        h = jnp.dot(x_ref[...], w_ref[...], preferred_element_type=jnp.float32)
        deg = 1.0 + hp_ref[0] + hp_ref[1]
        dis = lax.rsqrt(deg)
        dis_ref[...] = dis
        s_ref[...] = h * dis[:, 0:1]

    return pl.pallas_call(
        body,
        grid=(grid,),
        in_specs=[
            pl.BlockSpec((256, d), lambda r: (r, 0)),
            pl.BlockSpec((d, d), lambda r: (0, 0)),
            pl.BlockSpec((NC, 256, 16), lambda r: (0, r, 0)),
        ],
        out_specs=[
            pl.BlockSpec((256, d), lambda r: (r, 0)),
            pl.BlockSpec((256, 16), lambda r: (r, 0)),
        ],
        out_shape=[
            jax.ShapeDtypeStruct((npad, d), jnp.float32),
            jax.ShapeDtypeStruct((npad, 16), jnp.float32),
        ],
    )(x_pad, W1, histp)


def _sc_hist(dst3, npad, chunks):
    rows_per_tile = npad // NS
    zc = rows_per_tile // LANE
    mesh = plsc.VectorSubcoreMesh(core_axis_name="c", subcore_axis_name="s",
                                  num_cores=NC, num_subcores=NS)

    @functools.partial(
        pl.kernel,
        out_type=jax.ShapeDtypeStruct((NC, npad, 16), jnp.float32),
        mesh=mesh,
        scratch_types=[
            pltpu.VMEM((chunks, LANE), jnp.int32),
            pltpu.VMEM((LANE, 16), jnp.float32),
            pltpu.VMEM((LANE, 16), jnp.float32),
            pltpu.VMEM_SHARED((npad, 16), jnp.float32),
        ],
    )
    def hist(dst_hbm, out, dst_v, zb_v, ones_v, shared):
        c = lax.axis_index("c")
        s = lax.axis_index("s")
        wid = c * NS + s
        pltpu.sync_copy(dst_hbm.at[wid], dst_v)

        def init_body(i, _):
            zb_v[i, :] = jnp.zeros((16,), jnp.float32)
            ones_v[i, :] = jnp.ones((16,), jnp.float32)
            return _
        lax.fori_loop(0, LANE, init_body, None)
        for k in range(zc):
            pltpu.sync_copy(
                zb_v, shared.at[pl.ds(s * rows_per_tile + k * LANE, LANE)])
        plsc.subcore_barrier()

        def body(j, _):
            pltpu.sync_copy(ones_v, shared.at[dst_v.at[j]], add=True)
            return _
        lax.fori_loop(0, chunks, body, None)
        plsc.subcore_barrier()
        pltpu.sync_copy(shared.at[pl.ds(s * rows_per_tile, rows_per_tile)],
                        out.at[c, pl.ds(s * rows_per_tile, rows_per_tile)])

    return hist(dst3)


def _sc_agg(table, src3, dst3, npad, chunks, d, ring=RING, halves=HALVES):
    rows_per_tile = npad // NS
    zc = rows_per_tile // LANE
    mesh = plsc.VectorSubcoreMesh(core_axis_name="c", subcore_axis_name="s",
                                  num_cores=NC, num_subcores=NS)

    hchunks = chunks // halves

    @functools.partial(
        pl.kernel,
        out_type=jax.ShapeDtypeStruct((NC, npad, d), jnp.float32),
        mesh=mesh,
        scratch_types=[
            pltpu.VMEM((hchunks, LANE), jnp.int32),
            pltpu.VMEM((hchunks, LANE), jnp.int32),
            pltpu.VMEM((ring, LANE, d), jnp.float32),
            pltpu.VMEM_SHARED((npad, d), jnp.float32),
        ] + [pltpu.SemaphoreType.DMA] * ring,
        compiler_params=pltpu.CompilerParams(use_tc_tiling_on_sc=False),
    )
    def agg(table_hbm, src_hbm, dst_hbm, out, src_v, dst_v, rows_v, shared,
            *gsems):
        c = lax.axis_index("c")
        s = lax.axis_index("s")
        wid = c * NS + s

        def zero_body(i, _):
            for j in range(d // 16):
                rows_v[0, i, pl.ds(j * 16, 16)] = jnp.zeros((16,), jnp.float32)
            return _
        lax.fori_loop(0, LANE, zero_body, None)
        for k in range(zc):
            pltpu.sync_copy(rows_v.at[0],
                            shared.at[pl.ds(s * rows_per_tile + k * LANE,
                                            LANE)])
        plsc.subcore_barrier()

        def half(h, _):
            pltpu.sync_copy(src_hbm.at[wid, pl.ds(h * hchunks, hchunks)],
                            src_v)
            pltpu.sync_copy(dst_hbm.at[wid, pl.ds(h * hchunks, hchunks)],
                            dst_v)

            def group(g, _):
                j = g * ring
                gds = [
                    pltpu.async_copy(table_hbm.at[src_v.at[j + b]],
                                     rows_v.at[b], gsems[b])
                    for b in range(ring)
                ]
                for b in range(ring):
                    gds[b].wait()
                    pltpu.sync_copy(rows_v.at[b], shared.at[dst_v.at[j + b]],
                                    add=True)
                return _
            lax.fori_loop(0, hchunks // ring, group, None)
            return _
        lax.fori_loop(0, HALVES, half, None)
        plsc.subcore_barrier()
        pltpu.sync_copy(shared.at[pl.ds(s * rows_per_tile, rows_per_tile)],
                        out.at[c, pl.ds(s * rows_per_tile, rows_per_tile)])

    return agg(table, src3, dst3)


def _tc_l2(agg1, scaled1, dis, b1, W2, npad, d, d2):
    grid = npad // 256

    def body(a_ref, s1_ref, dis_ref, b1_ref, w2_ref, o_ref):
        di = dis_ref[:, 0:1]
        u = di * (a_ref[0] + a_ref[1] + s1_ref[...]) + b1_ref[...]
        h = jnp.maximum(u, 0.0)
        o_ref[...] = di * jnp.dot(h, w2_ref[...],
                                  preferred_element_type=jnp.float32)

    return pl.pallas_call(
        body,
        grid=(grid,),
        in_specs=[
            pl.BlockSpec((NC, 256, d), lambda r: (0, r, 0)),
            pl.BlockSpec((256, d), lambda r: (r, 0)),
            pl.BlockSpec((256, 16), lambda r: (r, 0)),
            pl.BlockSpec((1, d), lambda r: (0, 0)),
            pl.BlockSpec((d, d2), lambda r: (0, 0)),
        ],
        out_specs=pl.BlockSpec((256, d2), lambda r: (r, 0)),
        out_shape=jax.ShapeDtypeStruct((npad, d2), jnp.float32),
    )(agg1, scaled1, dis, b1, W2)


def _tc_out(agg2, scaled2, dis, b2, n, d, d2):
    bn = next(b for b in (400, 256, 200, 128, 80, 16, 8) if n % b == 0)
    grid = n // bn

    def body(a_ref, s2_ref, dis_ref, b2_ref, lp_ref, lg_ref):
        di = dis_ref[:, 0:1]
        logits = di * (a_ref[0] + a_ref[1] + s2_ref[...]) + b2_ref[...]
        lg_ref[...] = logits
        m = jnp.max(logits, axis=1, keepdims=True)
        e = jnp.exp(logits - m)
        lse = m + jnp.log(jnp.sum(e, axis=1, keepdims=True))
        lp_ref[...] = logits - lse

    return pl.pallas_call(
        body,
        grid=(grid,),
        in_specs=[
            pl.BlockSpec((NC, bn, d2), lambda r: (0, r, 0)),
            pl.BlockSpec((bn, d2), lambda r: (r, 0)),
            pl.BlockSpec((bn, 16), lambda r: (r, 0)),
            pl.BlockSpec((1, d2), lambda r: (0, 0)),
        ],
        out_specs=[
            pl.BlockSpec((bn, d2), lambda r: (r, 0)),
            pl.BlockSpec((bn, d2), lambda r: (r, 0)),
        ],
        out_shape=[
            jax.ShapeDtypeStruct((n, d2), jnp.float32),
            jax.ShapeDtypeStruct((n, d2), jnp.float32),
        ],
    )(agg2, scaled2, dis, b2)


def kernel(x, edge_index, W1, b1, W2, b2):
    n, d = x.shape
    d2 = W2.shape[1]
    e = edge_index.shape[1]

    npad = -(-n // 2048) * 2048
    if npad == n:
        npad += 2048
    chunks = -(-e // (NW * LANE))
    gran = RING * HALVES
    chunks = -(-chunks // gran) * gran
    epad = NW * chunks * LANE

    x_pad = jnp.pad(x, ((0, npad - n), (0, 0)))
    pad_idx = n + (jnp.arange(epad - e, dtype=jnp.int32) % (npad - n))
    src3 = jnp.concatenate([edge_index[0].astype(jnp.int32), pad_idx]
                           ).reshape(NW, chunks, LANE)
    dst3 = jnp.concatenate([edge_index[1].astype(jnp.int32), pad_idx]
                           ).reshape(NW, chunks, LANE)
    b1r = b1.reshape(1, d)
    b2r = b2.reshape(1, d2)

    histp = _sc_hist(dst3, npad, chunks)
    scaled1, dis = _tc_scale1(x_pad, W1, histp, npad, d)
    agg1 = _sc_agg(scaled1, src3, dst3, npad, chunks, d)
    scaled2 = _tc_l2(agg1, scaled1, dis, b1r, W2, npad, d, d2)
    agg2 = _sc_agg(scaled2, src3, dst3, npad, chunks, d2)
    log_probs, logits = _tc_out(agg2, scaled2, dis, b2r, n, d, d2)
    return (log_probs, logits)

# --- scband reference (transcript-rebuilt; emitter-appended) ---
"""Pipeline reference for scband-gcnnet-13262859010221 (READ-ONLY COPY).

The authoritative reference and input builder live on the scoring server;
editing this copy changes nothing except your own understanding.
"""

import jax, jax.numpy as jnp
import numpy as np

N_NODES = 10000
N_EDGES = 320000
D_FEAT = 128
HIDDEN = 128
N_CLASSES = 64


def gcn_conv(x, edge_index, W, b):
    N = x.shape[0]
    src = edge_index[0]
    dst = edge_index[1]
    # add self loops (GCNConv default)
    loop = jnp.arange(N, dtype=src.dtype)
    src = jnp.concatenate([src, loop])
    dst = jnp.concatenate([dst, loop])
    # linear transform
    h = x @ W
    # symmetric normalization deg^{-1/2}[src] * deg^{-1/2}[dst]
    deg = jax.ops.segment_sum(jnp.ones_like(dst, dtype=h.dtype), dst, num_segments=N)
    deg_inv_sqrt = jnp.where(deg > 0, jax.lax.rsqrt(jnp.maximum(deg, 1e-12)), 0.0)
    norm = deg_inv_sqrt[src] * deg_inv_sqrt[dst]
    # gather messages from src, scale, scatter-add to dst
    msg = h[src] * norm[:, None]
    out = jax.ops.segment_sum(msg, dst, num_segments=N)
    return out + b


def setup_inputs(seed: int = 0) -> dict:
    key = jax.random.key(seed)
    k1, k2, k3, k4, k5 = jax.random.split(key, 5)
    x = jax.random.normal(k1, (N_NODES, D_FEAT), dtype=jnp.float32)
    edge_index = jax.random.randint(k2, (2, N_EDGES), 0, N_NODES, dtype=jnp.int64 if jax.config.jax_enable_x64 else jnp.int32).astype(jnp.int32)
    # Glorot-style init for GCN layer weights
    W1 = jax.random.normal(k3, (D_FEAT, HIDDEN), dtype=jnp.float32) * (1.0 / np.sqrt(D_FEAT))
    b1 = jnp.zeros((HIDDEN,), dtype=jnp.float32)
    W2 = jax.random.normal(k4, (HIDDEN, N_CLASSES), dtype=jnp.float32) * (1.0 / np.sqrt(HIDDEN))
    b2 = jnp.zeros((N_CLASSES,), dtype=jnp.float32)
    return {"x": x, "edge_index": edge_index, "W1": W1, "b1": b1, "W2": W2, "b2": b2}


def reference(x, edge_index, W1, b1, W2, b2):
    # layer 1 + relu (dropout is identity in eval mode)
    h = gcn_conv(x, edge_index, W1, b1)
    h = jax.nn.relu(h)
    # final layer
    logits = gcn_conv(h, edge_index, W2, b2)
    log_probs = jax.nn.log_softmax(logits, axis=1)
    return (log_probs, logits)

if __name__ == "__main__":
    import jax
    _d = setup_inputs()
    print(jax.jit(kernel)(*tuple(_d.values())))

</pallas_src>

<mosaic_0001>
#map = affine_map<(d0, d1) -> (0, 0, 0)>
module attributes {stable_mosaic.version = 14 : i64} {
  func.func @hist(%arg0: i32, %arg1: i32, %arg2: memref<32x80x128xi32, #tpu.memory_space<hbm>>, %arg3: memref<2x10240x16xf32, #tpu.memory_space<hbm>>, %arg4: memref<80x128xi32, #tpu.memory_space<vmem>>, %arg5: memref<128x16xf32, #tpu.memory_space<vmem>>, %arg6: memref<128x16xf32, #tpu.memory_space<vmem>>, %arg7: memref<10240x16xf32, #tpu.memory_space<vmem_shared>>) attributes {dimension_semantics = [#tpu.dimension_semantics<core_parallel>, #tpu.dimension_semantics<subcore_parallel>], iteration_bounds = array<i64: 2, 16>, scalar_prefetch = 0 : i64, scratch_operands = 4 : i64, tpu.core_type = #tpu.core_type<sc_vector_subcore>, window_params = [{transform_indices = #map}, {transform_indices = #map}]} {
    %mul3A = arith.constant 16 : i32
    %mul3A_0 = arith.muli %arg0, %mul3A : i32
    %add3A = arith.addi %mul3A_0, %arg1 : i32
    "tpu.region"() ({
      %run_scoped3A = tpu.sem_alloc : memref<!tpu.dma_semaphore, #tpu.memory_space<semaphore_mem>>
      %dma_start3A = arith.constant 0 : i32
      %dma_start3A_35 = arith.constant 0 : i32
      %dma_start3A_36 = tpu.memref_slice %arg2[%add3A, %dma_start3A, %dma_start3A_35] : memref<32x80x128xi32, #tpu.memory_space<hbm>> -> memref<1x80x128xi32, #tpu.memory_space<hbm>>
      %dma_start3A_37 = tpu.memref_squeeze %dma_start3A_36 : memref<1x80x128xi32, #tpu.memory_space<hbm>> -> memref<80x128xi32, #tpu.memory_space<hbm>>
      %dma_start3A_38 = arith.constant 0 : i32
      %dma_start3A_39 = arith.constant 0 : i32
      %dma_start3A_40 = tpu.memref_slice %arg2[%add3A, %dma_start3A_38, %dma_start3A_39] : memref<32x80x128xi32, #tpu.memory_space<hbm>> -> memref<1x80x128xi32, #tpu.memory_space<hbm>>
      %dma_start3A_41 = tpu.memref_squeeze %dma_start3A_40 : memref<1x80x128xi32, #tpu.memory_space<hbm>> -> memref<80x128xi32, #tpu.memory_space<hbm>>
      tpu.enqueue_dma source(%dma_start3A_41 : memref<80x128xi32, #tpu.memory_space<hbm>>) target(%arg4 : memref<80x128xi32, #tpu.memory_space<vmem>>) target_semaphore(%run_scoped3A : memref<!tpu.dma_semaphore, #tpu.memory_space<semaphore_mem>>)
      %dma_wait3A = arith.constant 0 : i32
      %dma_wait3A_42 = arith.constant 0 : i32
      %dma_wait3A_43 = tpu.memref_slice %arg2[%add3A, %dma_wait3A, %dma_wait3A_42] : memref<32x80x128xi32, #tpu.memory_space<hbm>> -> memref<1x80x128xi32, #tpu.memory_space<hbm>>
      %dma_wait3A_44 = tpu.memref_squeeze %dma_wait3A_43 : memref<1x80x128xi32, #tpu.memory_space<hbm>> -> memref<80x128xi32, #tpu.memory_space<hbm>>
      %dma_wait3A_45 = arith.constant 0 : i32
      %dma_wait3A_46 = arith.constant 0 : i32
      %dma_wait3A_47 = tpu.memref_slice %arg2[%add3A, %dma_wait3A_45, %dma_wait3A_46] : memref<32x80x128xi32, #tpu.memory_space<hbm>> -> memref<1x80x128xi32, #tpu.memory_space<hbm>>
      %dma_wait3A_48 = tpu.memref_squeeze %dma_wait3A_47 : memref<1x80x128xi32, #tpu.memory_space<hbm>> -> memref<80x128xi32, #tpu.memory_space<hbm>>
      tpu.wait_dma2 semaphore(%run_scoped3A : memref<!tpu.dma_semaphore, #tpu.memory_space<semaphore_mem>>) src(%dma_wait3A_48 : memref<80x128xi32, #tpu.memory_space<hbm>>) dst(%arg4 : memref<80x128xi32, #tpu.memory_space<vmem>>)
      tpu.yield
    }) : () -> ()
    %scan3A = arith.constant 0 : i32
    %scan3A_1 = arith.constant 128 : i32
    %scan3A_2 = arith.addi %scan3A, %scan3A_1 : i32
    %scan3A_3 = arith.constant 1 : i32
    scf.for %scan3A_35 = %scan3A to %scan3A_2 step %scan3A_3  : i32 {
      %broadcast_in_dim3A = arith.constant 0.000000e+00 : f32
      %broadcast_in_dim3A_36 = vector.broadcast %broadcast_in_dim3A : f32 to vector<16xf32>
      %swap3A = arith.index_cast %scan3A_35 : i32 to index
      %swap3A_37 = arith.constant 0 : index
      %swap3A_38 = tpu.vector_load %arg5[%swap3A, %swap3A_37] {strides = array<i32>} : memref<128x16xf32, #tpu.memory_space<vmem>>, vector<1x16xf32>,
      %swap3A_39 = vector.shape_cast %swap3A_38 : vector<1x16xf32> to vector<16xf32>
      %swap3A_40 = vector.shape_cast %broadcast_in_dim3A_36 : vector<16xf32> to vector<1x16xf32>
      tpu.vector_store %arg5[%swap3A, %swap3A_37], %swap3A_40 {strides = array<i32>} : memref<128x16xf32, #tpu.memory_space<vmem>>, vector<1x16xf32>,
      %broadcast_in_dim3A_41 = arith.constant 1.000000e+00 : f32
      %broadcast_in_dim3A_42 = vector.broadcast %broadcast_in_dim3A_41 : f32 to vector<16xf32>
      %swap3A_43 = arith.index_cast %scan3A_35 : i32 to index
      %swap3A_44 = arith.constant 0 : index
      %swap3A_45 = tpu.vector_load %arg6[%swap3A_43, %swap3A_44] {strides = array<i32>} : memref<128x16xf32, #tpu.memory_space<vmem>>, vector<1x16xf32>,
      %swap3A_46 = vector.shape_cast %swap3A_45 : vector<1x16xf32> to vector<16xf32>
      %swap3A_47 = vector.shape_cast %broadcast_in_dim3A_42 : vector<16xf32> to vector<1x16xf32>
      tpu.vector_store %arg6[%swap3A_43, %swap3A_44], %swap3A_47 {strides = array<i32>} : memref<128x16xf32, #tpu.memory_space<vmem>>, vector<1x16xf32>,
    }
    %scan3A_4 = arith.constant 128 : i32
    %mul3A_5 = arith.constant 640 : i32
    %mul3A_6 = arith.muli %arg1, %mul3A_5 : i32
    %add3A_7 = arith.constant 0 : i32
    %add3A_8 = arith.addi %mul3A_6, %add3A_7 : i32
    "tpu.region"() ({
      %run_scoped3A = tpu.sem_alloc : memref<!tpu.dma_semaphore, #tpu.memory_space<semaphore_mem>>
      %dma_start3A = arith.constant 0 : i32
      %dma_start3A_35 = tpu.memref_slice %arg7[%add3A_8, %dma_start3A] : memref<10240x16xf32, #tpu.memory_space<vmem_shared>> -> memref<128x16xf32, #tpu.memory_space<vmem_shared>>
      %dma_start3A_36 = arith.constant 0 : i32
      %dma_start3A_37 = tpu.memref_slice %arg7[%add3A_8, %dma_start3A_36] : memref<10240x16xf32, #tpu.memory_space<vmem_shared>> -> memref<128x16xf32, #tpu.memory_space<vmem_shared>>
      tpu.enqueue_dma source(%arg5 : memref<128x16xf32, #tpu.memory_space<vmem>>) target(%dma_start3A_37 : memref<128x16xf32, #tpu.memory_space<vmem_shared>>) target_semaphore(%run_scoped3A : memref<!tpu.dma_semaphore, #tpu.memory_space<semaphore_mem>>)
      %dma_wait3A = arith.constant 0 : i32
      %dma_wait3A_38 = tpu.memref_slice %arg7[%add3A_8, %dma_wait3A] : memref<10240x16xf32, #tpu.memory_space<vmem_shared>> -> memref<128x16xf32, #tpu.memory_space<vmem_shared>>
      %dma_wait3A_39 = arith.constant 0 : i32
      %dma_wait3A_40 = tpu.memref_slice %arg7[%add3A_8, %dma_wait3A_39] : memref<10240x16xf32, #tpu.memory_space<vmem_shared>> -> memref<128x16xf32, #tpu.memory_space<vmem_shared>>
      tpu.wait_dma2 semaphore(%run_scoped3A : memref<!tpu.dma_semaphore, #tpu.memory_space<semaphore_mem>>) src(%arg5 : memref<128x16xf32, #tpu.memory_space<vmem>>) dst(%dma_wait3A_40 : memref<128x16xf32, #tpu.memory_space<vmem_shared>>)
      tpu.yield
    }) : () -> ()
    %mul3A_9 = arith.constant 640 : i32
    %mul3A_10 = arith.muli %arg1, %mul3A_9 : i32
    %add3A_11 = arith.constant 128 : i32
    %add3A_12 = arith.addi %mul3A_10, %add3A_11 : i32
    "tpu.region"() ({
      %run_scoped3A = tpu.sem_alloc : memref<!tpu.dma_semaphore, #tpu.memory_space<semaphore_mem>>
      %dma_start3A = arith.constant 0 : i32
      %dma_start3A_35 = tpu.memref_slice %arg7[%add3A_12, %dma_start3A] : memref<10240x16xf32, #tpu.memory_space<vmem_shared>> -> memref<128x16xf32, #tpu.memory_space<vmem_shared>>
      %dma_start3A_36 = arith.constant 0 : i32
      %dma_start3A_37 = tpu.memref_slice %arg7[%add3A_12, %dma_start3A_36] : memref<10240x16xf32, #tpu.memory_space<vmem_shared>> -> memref<128x16xf32, #tpu.memory_space<vmem_shared>>
      tpu.enqueue_dma source(%arg5 : memref<128x16xf32, #tpu.memory_space<vmem>>) target(%dma_start3A_37 : memref<128x16xf32, #tpu.memory_space<vmem_shared>>) target_semaphore(%run_scoped3A : memref<!tpu.dma_semaphore, #tpu.memory_space<semaphore_mem>>)
      %dma_wait3A = arith.constant 0 : i32
      %dma_wait3A_38 = tpu.memref_slice %arg7[%add3A_12, %dma_wait3A] : memref<10240x16xf32, #tpu.memory_space<vmem_shared>> -> memref<128x16xf32, #tpu.memory_space<vmem_shared>>
      %dma_wait3A_39 = arith.constant 0 : i32
      %dma_wait3A_40 = tpu.memref_slice %arg7[%add3A_12, %dma_wait3A_39] : memref<10240x16xf32, #tpu.memory_space<vmem_shared>> -> memref<128x16xf32, #tpu.memory_space<vmem_shared>>
      tpu.wait_dma2 semaphore(%run_scoped3A : memref<!tpu.dma_semaphore, #tpu.memory_space<semaphore_mem>>) src(%arg5 : memref<128x16xf32, #tpu.memory_space<vmem>>) dst(%dma_wait3A_40 : memref<128x16xf32, #tpu.memory_space<vmem_shared>>)
      tpu.yield
    }) : () -> ()
    %mul3A_13 = arith.constant 640 : i32
    %mul3A_14 = arith.muli %arg1, %mul3A_13 : i32
    %add3A_15 = arith.constant 256 : i32
    %add3A_16 = arith.addi %mul3A_14, %add3A_15 : i32
    "tpu.region"() ({
      %run_scoped3A = tpu.sem_alloc : memref<!tpu.dma_semaphore, #tpu.memory_space<semaphore_mem>>
      %dma_start3A = arith.constant 0 : i32
      %dma_start3A_35 = tpu.memref_slice %arg7[%add3A_16, %dma_start3A] : memref<10240x16xf32, #tpu.memory_space<vmem_shared>> -> memref<128x16xf32, #tpu.memory_space<vmem_shared>>
      %dma_start3A_36 = arith.constant 0 : i32
      %dma_start3A_37 = tpu.memref_slice %arg7[%add3A_16, %dma_start3A_36] : memref<10240x16xf32, #tpu.memory_space<vmem_shared>> -> memref<128x16xf32, #tpu.memory_space<vmem_shared>>
      tpu.enqueue_dma source(%arg5 : memref<128x16xf32, #tpu.memory_space<vmem>>) target(%dma_start3A_37 : memref<128x16xf32, #tpu.memory_space<vmem_shared>>) target_semaphore(%run_scoped3A : memref<!tpu.dma_semaphore, #tpu.memory_space<semaphore_mem>>)
      %dma_wait3A = arith.constant 0 : i32
      %dma_wait3A_38 = tpu.memref_slice %arg7[%add3A_16, %dma_wait3A] : memref<10240x16xf32, #tpu.memory_space<vmem_shared>> -> memref<128x16xf32, #tpu.memory_space<vmem_shared>>
      %dma_wait3A_39 = arith.constant 0 : i32
      %dma_wait3A_40 = tpu.memref_slice %arg7[%add3A_16, %dma_wait3A_39] : memref<10240x16xf32, #tpu.memory_space<vmem_shared>> -> memref<128x16xf32, #tpu.memory_space<vmem_shared>>
      tpu.wait_dma2 semaphore(%run_scoped3A : memref<!tpu.dma_semaphore, #tpu.memory_space<semaphore_mem>>) src(%arg5 : memref<128x16xf32, #tpu.memory_space<vmem>>) dst(%dma_wait3A_40 : memref<128x16xf32, #tpu.memory_space<vmem_shared>>)
      tpu.yield
    }) : () -> ()
    %mul3A_17 = arith.constant 640 : i32
    %mul3A_18 = arith.muli %arg1, %mul3A_17 : i32
    %add3A_19 = arith.constant 384 : i32
    %add3A_20 = arith.addi %mul3A_18, %add3A_19 : i32
    "tpu.region"() ({
      %run_scoped3A = tpu.sem_alloc : memref<!tpu.dma_semaphore, #tpu.memory_space<semaphore_mem>>
      %dma_start3A = arith.constant 0 : i32
      %dma_start3A_35 = tpu.memref_slice %arg7[%add3A_20, %dma_start3A] : memref<10240x16xf32, #tpu.memory_space<vmem_shared>> -> memref<128x16xf32, #tpu.memory_space<vmem_shared>>
      %dma_start3A_36 = arith.constant 0 : i32
      %dma_start3A_37 = tpu.memref_slice %arg7[%add3A_20, %dma_start3A_36] : memref<10240x16xf32, #tpu.memory_space<vmem_shared>> -> memref<128x16xf32, #tpu.memory_space<vmem_shared>>
      tpu.enqueue_dma source(%arg5 : memref<128x16xf32, #tpu.memory_space<vmem>>) target(%dma_start3A_37 : memref<128x16xf32, #tpu.memory_space<vmem_shared>>) target_semaphore(%run_scoped3A : memref<!tpu.dma_semaphore, #tpu.memory_space<semaphore_mem>>)
      %dma_wait3A = arith.constant 0 : i32
      %dma_wait3A_38 = tpu.memref_slice %arg7[%add3A_20, %dma_wait3A] : memref<10240x16xf32, #tpu.memory_space<vmem_shared>> -> memref<128x16xf32, #tpu.memory_space<vmem_shared>>
      %dma_wait3A_39 = arith.constant 0 : i32
      %dma_wait3A_40 = tpu.memref_slice %arg7[%add3A_20, %dma_wait3A_39] : memref<10240x16xf32, #tpu.memory_space<vmem_shared>> -> memref<128x16xf32, #tpu.memory_space<vmem_shared>>
      tpu.wait_dma2 semaphore(%run_scoped3A : memref<!tpu.dma_semaphore, #tpu.memory_space<semaphore_mem>>) src(%arg5 : memref<128x16xf32, #tpu.memory_space<vmem>>) dst(%dma_wait3A_40 : memref<128x16xf32, #tpu.memory_space<vmem_shared>>)
      tpu.yield
    }) : () -> ()
    %mul3A_21 = arith.constant 640 : i32
    %mul3A_22 = arith.muli %arg1, %mul3A_21 : i32
    %add3A_23 = arith.constant 512 : i32
    %add3A_24 = arith.addi %mul3A_22, %add3A_23 : i32
    "tpu.region"() ({
      %run_scoped3A = tpu.sem_alloc : memref<!tpu.dma_semaphore, #tpu.memory_space<semaphore_mem>>
      %dma_start3A = arith.constant 0 : i32
      %dma_start3A_35 = tpu.memref_slice %arg7[%add3A_24, %dma_start3A] : memref<10240x16xf32, #tpu.memory_space<vmem_shared>> -> memref<128x16xf32, #tpu.memory_space<vmem_shared>>
      %dma_start3A_36 = arith.constant 0 : i32
      %dma_start3A_37 = tpu.memref_slice %arg7[%add3A_24, %dma_start3A_36] : memref<10240x16xf32, #tpu.memory_space<vmem_shared>> -> memref<128x16xf32, #tpu.memory_space<vmem_shared>>
      tpu.enqueue_dma source(%arg5 : memref<128x16xf32, #tpu.memory_space<vmem>>) target(%dma_start3A_37 : memref<128x16xf32, #tpu.memory_space<vmem_shared>>) target_semaphore(%run_scoped3A : memref<!tpu.dma_semaphore, #tpu.memory_space<semaphore_mem>>)
      %dma_wait3A = arith.constant 0 : i32
      %dma_wait3A_38 = tpu.memref_slice %arg7[%add3A_24, %dma_wait3A] : memref<10240x16xf32, #tpu.memory_space<vmem_shared>> -> memref<128x16xf32, #tpu.memory_space<vmem_shared>>
      %dma_wait3A_39 = arith.constant 0 : i32
      %dma_wait3A_40 = tpu.memref_slice %arg7[%add3A_24, %dma_wait3A_39] : memref<10240x16xf32, #tpu.memory_space<vmem_shared>> -> memref<128x16xf32, #tpu.memory_space<vmem_shared>>
      tpu.wait_dma2 semaphore(%run_scoped3A : memref<!tpu.dma_semaphore, #tpu.memory_space<semaphore_mem>>) src(%arg5 : memref<128x16xf32, #tpu.memory_space<vmem>>) dst(%dma_wait3A_40 : memref<128x16xf32, #tpu.memory_space<vmem_shared>>)
      tpu.yield
    }) : () -> ()
    %barrier3A = arith.constant 0 : index
    tpu.barrier barrier_id(%barrier3A)
    %scan3A_25 = arith.constant 0 : i32
    %scan3A_26 = arith.constant 80 : i32
    %scan3A_27 = arith.addi %scan3A_25, %scan3A_26 : i32
    %scan3A_28 = arith.constant 1 : i32
    scf.for %scan3A_35 = %scan3A_25 to %scan3A_27 step %scan3A_28  : i32 {
      "tpu.region"() ({
        %run_scoped3A = tpu.sem_alloc : memref<!tpu.dma_semaphore, #tpu.memory_space<semaphore_mem>>
        %dma_start3A = arith.constant 0 : i32
        %dma_start3A_36 = tpu.memref_slice %arg4[%scan3A_35, %dma_start3A] : memref<80x128xi32, #tpu.memory_space<vmem>> -> memref<1x128xi32, #tpu.memory_space<vmem>>
        %dma_start3A_37 = tpu.memref_squeeze %dma_start3A_36 : memref<1x128xi32, #tpu.memory_space<vmem>> -> memref<128xi32, #tpu.memory_space<vmem>>
        %dma_start3A_38 = arith.constant 0 : i32
        %dma_start3A_39 = arith.constant 0 : i32
        %dma_start3A_40 = tpu.memref_slice %arg7[%dma_start3A_38, %dma_start3A_39] : memref<10240x16xf32, #tpu.memory_space<vmem_shared>> -> memref<10240x16xf32, #tpu.memory_space<vmem_shared>>
        tpu.enqueue_indirect_dma source(%arg6 : memref<128x16xf32, #tpu.memory_space<vmem>>) target(%dma_start3A_40 : memref<10240x16xf32, #tpu.memory_space<vmem_shared>>) offsets(%dma_start3A_37 : memref<128xi32, #tpu.memory_space<vmem>>) semaphore(%run_scoped3A : memref<!tpu.dma_semaphore, #tpu.memory_space<semaphore_mem>>) {add = true}
        %dma_wait3A = arith.constant 0 : i32
        %dma_wait3A_41 = tpu.memref_slice %arg4[%scan3A_35, %dma_wait3A] : memref<80x128xi32, #tpu.memory_space<vmem>> -> memref<1x128xi32, #tpu.memory_space<vmem>>
        %dma_wait3A_42 = tpu.memref_squeeze %dma_wait3A_41 : memref<1x128xi32, #tpu.memory_space<vmem>> -> memref<128xi32, #tpu.memory_space<vmem>>
        %dma_wait3A_43 = arith.constant 0 : i32
        %dma_wait3A_44 = arith.constant 0 : i32
        %dma_wait3A_45 = tpu.memref_slice %arg7[%dma_wait3A_43, %dma_wait3A_44] : memref<10240x16xf32, #tpu.memory_space<vmem_shared>> -> memref<10240x16xf32, #tpu.memory_space<vmem_shared>>
        tpu.wait_indirect_dma semaphore(%run_scoped3A : memref<!tpu.dma_semaphore, #tpu.memory_space<semaphore_mem>>) src(%arg6 : memref<128x16xf32, #tpu.memory_space<vmem>>) dst(%dma_wait3A_45 : memref<10240x16xf32, #tpu.memory_space<vmem_shared>>)
        tpu.yield
      }) : () -> ()
    }
    %scan3A_29 = arith.constant 80 : i32
    %barrier3A_30 = arith.constant 0 : index
    tpu.barrier barrier_id(%barrier3A_30)
    %mul3A_31 = arith.constant 640 : i32
    %mul3A_32 = arith.muli %arg1, %mul3A_31 : i32
    %mul3A_33 = arith.constant 640 : i32
    %mul3A_34 = arith.muli %arg1, %mul3A_33 : i32
    "tpu.region"() ({
      %run_scoped3A = tpu.sem_alloc : memref<!tpu.dma_semaphore, #tpu.memory_space<semaphore_mem>>
      %dma_start3A = arith.constant 0 : i32
      %dma_start3A_35 = tpu.memref_slice %arg3[%arg0, %mul3A_34, %dma_start3A] : memref<2x10240x16xf32, #tpu.memory_space<hbm>> -> memref<1x640x16xf32, #tpu.memory_space<hbm>>
      %dma_start3A_36 = tpu.memref_squeeze %dma_start3A_35 : memref<1x640x16xf32, #tpu.memory_space<hbm>> -> memref<640x16xf32, #tpu.memory_space<hbm>>
      %dma_start3A_37 = arith.constant 0 : i32
      %dma_start3A_38 = tpu.memref_slice %arg7[%mul3A_32, %dma_start3A_37] : memref<10240x16xf32, #tpu.memory_space<vmem_shared>> -> memref<640x16xf32, #tpu.memory_space<vmem_shared>>
      tpu.enqueue_dma source(%dma_start3A_38 : memref<640x16xf32, #tpu.memory_space<vmem_shared>>) target(%dma_start3A_36 : memref<640x16xf32, #tpu.memory_space<hbm>>) target_semaphore(%run_scoped3A : memref<!tpu.dma_semaphore, #tpu.memory_space<semaphore_mem>>)
      %dma_wait3A = arith.constant 0 : i32
      %dma_wait3A_39 = tpu.memref_slice %arg3[%arg0, %mul3A_34, %dma_wait3A] : memref<2x10240x16xf32, #tpu.memory_space<hbm>> -> memref<1x640x16xf32, #tpu.memory_space<hbm>>
      %dma_wait3A_40 = tpu.memref_squeeze %dma_wait3A_39 : memref<1x640x16xf32, #tpu.memory_space<hbm>> -> memref<640x16xf32, #tpu.memory_space<hbm>>
      %dma_wait3A_41 = arith.constant 0 : i32
      %dma_wait3A_42 = tpu.memref_slice %arg7[%mul3A_32, %dma_wait3A_41] : memref<10240x16xf32, #tpu.memory_space<vmem_shared>> -> memref<640x16xf32, #tpu.memory_space<vmem_shared>>
      tpu.wait_dma2 semaphore(%run_scoped3A : memref<!tpu.dma_semaphore, #tpu.memory_space<semaphore_mem>>) src(%dma_wait3A_42 : memref<640x16xf32, #tpu.memory_space<vmem_shared>>) dst(%dma_wait3A_40 : memref<640x16xf32, #tpu.memory_space<hbm>>)
      tpu.yield
    }) : () -> ()
    return
  }
}

#map = affine_map<(d0, d1) -> (0, 0)>
#map1 = affine_map<(d0, d1) -> (0, 0, 0)>
module attributes {stable_mosaic.version = 14 : i64} {
  func.func @agg(%arg0: i32, %arg1: i32, %arg2: memref<10240x64xf32, #tpu.memory_space<hbm>>, %arg3: memref<32x80x128xi32, #tpu.memory_space<hbm>>, %arg4: memref<32x80x128xi32, #tpu.memory_space<hbm>>, %arg5: memref<2x10240x64xf32, #tpu.memory_space<hbm>>, %arg6: memref<40x128xi32, #tpu.memory_space<vmem>>, %arg7: memref<40x128xi32, #tpu.memory_space<vmem>>, %arg8: memref<2x128x64xf32, #tpu.memory_space<vmem>>, %arg9: memref<10240x64xf32, #tpu.memory_space<vmem_shared>>, %arg10: memref<!tpu.dma_semaphore, #tpu.memory_space<semaphore_mem>>, %arg11: memref<!tpu.dma_semaphore, #tpu.memory_space<semaphore_mem>>) attributes {dimension_semantics = [#tpu.dimension_semantics<core_parallel>, #tpu.dimension_semantics<subcore_parallel>], iteration_bounds = array<i64: 2, 16>, scalar_prefetch = 0 : i64, scratch_operands = 6 : i64, tpu.core_type = #tpu.core_type<sc_vector_subcore>, window_params = [{transform_indices = #map}, {transform_indices = #map1}, {transform_indices = #map1}, {transform_indices = #map1}]} {
    %mul3A = arith.constant 16 : i32
    %mul3A_0 = arith.muli %arg0, %mul3A : i32
    %add3A = arith.addi %mul3A_0, %arg1 : i32
    %scan3A = arith.constant 0 : i32
    %scan3A_1 = arith.constant 128 : i32
    %scan3A_2 = arith.addi %scan3A, %scan3A_1 : i32
    %scan3A_3 = arith.constant 1 : i32
    scf.for %scan3A_39 = %scan3A to %scan3A_2 step %scan3A_3  : i32 {
      %broadcast_in_dim3A = arith.constant 0.000000e+00 : f32
      %broadcast_in_dim3A_40 = vector.broadcast %broadcast_in_dim3A : f32 to vector<16xf32>
      %swap3A = arith.constant 0 : i32
      %swap3A_41 = arith.index_cast %swap3A : i32 to index
      %swap3A_42 = arith.index_cast %scan3A_39 : i32 to index
      %swap3A_43 = arith.constant 0 : index
      %swap3A_44 = tpu.vector_load %arg8[%swap3A_41, %swap3A_42, %swap3A_43] {strides = array<i32>} : memref<2x128x64xf32, #tpu.memory_space<vmem>>, vector<1x1x16xf32>,
      %swap3A_45 = vector.shape_cast %swap3A_44 : vector<1x1x16xf32> to vector<16xf32>
      %swap3A_46 = vector.shape_cast %broadcast_in_dim3A_40 : vector<16xf32> to vector<1x1x16xf32>
      tpu.vector_store %arg8[%swap3A_41, %swap3A_42, %swap3A_43], %swap3A_46 {strides = array<i32>} : memref<2x128x64xf32, #tpu.memory_space<vmem>>, vector<1x1x16xf32>,
      %broadcast_in_dim3A_47 = arith.constant 0.000000e+00 : f32
      %broadcast_in_dim3A_48 = vector.broadcast %broadcast_in_dim3A_47 : f32 to vector<16xf32>
      %swap3A_49 = arith.constant 0 : i32
      %swap3A_50 = arith.index_cast %swap3A_49 : i32 to index
      %swap3A_51 = arith.index_cast %scan3A_39 : i32 to index
      %swap3A_52 = arith.constant 16 : index
      %swap3A_53 = tpu.vector_load %arg8[%swap3A_50, %swap3A_51, %swap3A_52] {strides = array<i32>} : memref<2x128x64xf32, #tpu.memory_space<vmem>>, vector<1x1x16xf32>,
      %swap3A_54 = vector.shape_cast %swap3A_53 : vector<1x1x16xf32> to vector<16xf32>
      %swap3A_55 = vector.shape_cast %broadcast_in_dim3A_48 : vector<16xf32> to vector<1x1x16xf32>
      tpu.vector_store %arg8[%swap3A_50, %swap3A_51, %swap3A_52], %swap3A_55 {strides = array<i32>} : memref<2x128x64xf32, #tpu.memory_space<vmem>>, vector<1x1x16xf32>,
      %broadcast_in_dim3A_56 = arith.constant 0.000000e+00 : f32
      %broadcast_in_dim3A_57 = vector.broadcast %broadcast_in_dim3A_56 : f32 to vector<16xf32>
      %swap3A_58 = arith.constant 0 : i32
      %swap3A_59 = arith.index_cast %swap3A_58 : i32 to index
      %swap3A_60 = arith.index_cast %scan3A_39 : i32 to index
      %swap3A_61 = arith.constant 32 : index
      %swap3A_62 = tpu.vector_load %arg8[%swap3A_59, %swap3A_60, %swap3A_61] {strides = array<i32>} : memref<2x128x64xf32, #tpu.memory_space<vmem>>, vector<1x1x16xf32>,
      %swap3A_63 = vector.shape_cast %swap3A_62 : vector<1x1x16xf32> to vector<16xf32>
      %swap3A_64 = vector.shape_cast %broadcast_in_dim3A_57 : vector<16xf32> to vector<1x1x16xf32>
      tpu.vector_store %arg8[%swap3A_59, %swap3A_60, %swap3A_61], %swap3A_64 {strides = array<i32>} : memref<2x128x64xf32, #tpu.memory_space<vmem>>, vector<1x1x16xf32>,
      %broadcast_in_dim3A_65 = arith.constant 0.000000e+00 : f32
      %broadcast_in_dim3A_66 = vector.broadcast %broadcast_in_dim3A_65 : f32 to vector<16xf32>
      %swap3A_67 = arith.constant 0 : i32
      %swap3A_68 = arith.index_cast %swap3A_67 : i32 to index
      %swap3A_69 = arith.index_cast %scan3A_39 : i32 to index
      %swap3A_70 = arith.constant 48 : index
      %swap3A_71 = tpu.vector_load %arg8[%swap3A_68, %swap3A_69, %swap3A_70] {strides = array<i32>} : memref<2x128x64xf32, #tpu.memory_space<vmem>>, vector<1x1x16xf32>,
      %swap3A_72 = vector.shape_cast %swap3A_71 : vector<1x1x16xf32> to vector<16xf32>
      %swap3A_73 = vector.shape_cast %broadcast_in_dim3A_66 : vector<16xf32> to vector<1x1x16xf32>
      tpu.vector_store %arg8[%swap3A_68, %swap3A_69, %swap3A_70], %swap3A_73 {strides = array<i32>} : memref<2x128x64xf32, #tpu.memory_space<vmem>>, vector<1x1x16xf32>,
    }
    %scan3A_4 = arith.constant 128 : i32
    %mul3A_5 = arith.constant 640 : i32
    %mul3A_6 = arith.muli %arg1, %mul3A_5 : i32
    %add3A_7 = arith.constant 0 : i32
    %add3A_8 = arith.addi %mul3A_6, %add3A_7 : i32
    %run_scoped3A = arith.constant 0 : i32
    "tpu.region"() ({
      %run_scoped3A_39 = tpu.sem_alloc : memref<!tpu.dma_semaphore, #tpu.memory_space<semaphore_mem>>
      %dma_start3A = arith.constant 0 : i32
      %dma_start3A_40 = arith.constant 0 : i32
      %dma_start3A_41 = tpu.memref_slice %arg8[%run_scoped3A, %dma_start3A, %dma_start3A_40] : memref<2x128x64xf32, #tpu.memory_space<vmem>> -> memref<1x128x64xf32, #tpu.memory_space<vmem>>
      %dma_start3A_42 = tpu.memref_squeeze %dma_start3A_41 : memref<1x128x64xf32, #tpu.memory_space<vmem>> -> memref<128x64xf32, #tpu.memory_space<vmem>>
      %dma_start3A_43 = arith.constant 0 : i32
      %dma_start3A_44 = tpu.memref_slice %arg9[%add3A_8, %dma_start3A_43] : memref<10240x64xf32, #tpu.memory_space<vmem_shared>> -> memref<128x64xf32, #tpu.memory_space<vmem_shared>>
      %dma_start3A_45 = arith.constant 0 : i32
      %dma_start3A_46 = tpu.memref_slice %arg9[%add3A_8, %dma_start3A_45] : memref<10240x64xf32, #tpu.memory_space<vmem_shared>> -> memref<128x64xf32, #tpu.memory_space<vmem_shared>>
      %dma_start3A_47 = arith.constant 0 : i32
      %dma_start3A_48 = arith.constant 0 : i32
      %dma_start3A_49 = tpu.memref_slice %arg8[%run_scoped3A, %dma_start3A_47, %dma_start3A_48] : memref<2x128x64xf32, #tpu.memory_space<vmem>> -> memref<1x128x64xf32, #tpu.memory_space<vmem>>
      %dma_start3A_50 = tpu.memref_squeeze %dma_start3A_49 : memref<1x128x64xf32, #tpu.memory_space<vmem>> -> memref<128x64xf32, #tpu.memory_space<vmem>>
      tpu.enqueue_dma source(%dma_start3A_50 : memref<128x64xf32, #tpu.memory_space<vmem>>) target(%dma_start3A_46 : memref<128x64xf32, #tpu.memory_space<vmem_shared>>) target_semaphore(%run_scoped3A_39 : memref<!tpu.dma_semaphore, #tpu.memory_space<semaphore_mem>>)
      %dma_wait3A = arith.constant 0 : i32
      %dma_wait3A_51 = arith.constant 0 : i32
      %dma_wait3A_52 = tpu.memref_slice %arg8[%run_scoped3A, %dma_wait3A, %dma_wait3A_51] : memref<2x128x64xf32, #tpu.memory_space<vmem>> -> memref<1x128x64xf32, #tpu.memory_space<vmem>>
      %dma_wait3A_53 = tpu.memref_squeeze %dma_wait3A_52 : memref<1x128x64xf32, #tpu.memory_space<vmem>> -> memref<128x64xf32, #tpu.memory_space<vmem>>
      %dma_wait3A_54 = arith.constant 0 : i32
      %dma_wait3A_55 = tpu.memref_slice %arg9[%add3A_8, %dma_wait3A_54] : memref<10240x64xf32, #tpu.memory_space<vmem_shared>> -> memref<128x64xf32, #tpu.memory_space<vmem_shared>>
      %dma_wait3A_56 = arith.constant 0 : i32
      %dma_wait3A_57 = tpu.memref_slice %arg9[%add3A_8, %dma_wait3A_56] : memref<10240x64xf32, #tpu.memory_space<vmem_shared>> -> memref<128x64xf32, #tpu.memory_space<vmem_shared>>
      %dma_wait3A_58 = arith.constant 0 : i32
      %dma_wait3A_59 = arith.constant 0 : i32
      %dma_wait3A_60 = tpu.memref_slice %arg8[%run_scoped3A, %dma_wait3A_58, %dma_wait3A_59] : memref<2x128x64xf32, #tpu.memory_space<vmem>> -> memref<1x128x64xf32, #tpu.memory_space<vmem>>
      %dma_wait3A_61 = tpu.memref_squeeze %dma_wait3A_60 : memref<1x128x64xf32, #tpu.memory_space<vmem>> -> memref<128x64xf32, #tpu.memory_space<vmem>>
      tpu.wait_dma2 semaphore(%run_scoped3A_39 : memref<!tpu.dma_semaphore, #tpu.memory_space<semaphore_mem>>) src(%dma_wait3A_61 : memref<128x64xf32, #tpu.memory_space<vmem>>) dst(%dma_wait3A_57 : memref<128x64xf32, #tpu.memory_space<vmem_shared>>)
      tpu.yield
    }) : () -> ()
    %mul3A_9 = arith.constant 640 : i32
    %mul3A_10 = arith.muli %arg1, %mul3A_9 : i32
    %add3A_11 = arith.constant 128 : i32
    %add3A_12 = arith.addi %mul3A_10, %add3A_11 : i32
    %run_scoped3A_13 = arith.constant 0 : i32
    "tpu.region"() ({
      %run_scoped3A_39 = tpu.sem_alloc : memref<!tpu.dma_semaphore, #tpu.memory_space<semaphore_mem>>
      %dma_start3A = arith.constant 0 : i32
      %dma_start3A_40 = arith.constant 0 : i32
      %dma_start3A_41 = tpu.memref_slice %arg8[%run_scoped3A_13, %dma_start3A, %dma_start3A_40] : memref<2x128x64xf32, #tpu.memory_space<vmem>> -> memref<1x128x64xf32, #tpu.memory_space<vmem>>
      %dma_start3A_42 = tpu.memref_squeeze %dma_start3A_41 : memref<1x128x64xf32, #tpu.memory_space<vmem>> -> memref<128x64xf32, #tpu.memory_space<vmem>>
      %dma_start3A_43 = arith.constant 0 : i32
      %dma_start3A_44 = tpu.memref_slice %arg9[%add3A_12, %dma_start3A_43] : memref<10240x64xf32, #tpu.memory_space<vmem_shared>> -> memref<128x64xf32, #tpu.memory_space<vmem_shared>>
      %dma_start3A_45 = arith.constant 0 : i32
      %dma_start3A_46 = tpu.memref_slice %arg9[%add3A_12, %dma_start3A_45] : memref<10240x64xf32, #tpu.memory_space<vmem_shared>> -> memref<128x64xf32, #tpu.memory_space<vmem_shared>>
      %dma_start3A_47 = arith.constant 0 : i32
      %dma_start3A_48 = arith.constant 0 : i32
      %dma_start3A_49 = tpu.memref_slice %arg8[%run_scoped3A_13, %dma_start3A_47, %dma_start3A_48] : memref<2x128x64xf32, #tpu.memory_space<vmem>> -> memref<1x128x64xf32, #tpu.memory_space<vmem>>
      %dma_start3A_50 = tpu.memref_squeeze %dma_start3A_49 : memref<1x128x64xf32, #tpu.memory_space<vmem>> -> memref<128x64xf32, #tpu.memory_space<vmem>>
      tpu.enqueue_dma source(%dma_start3A_50 : memref<128x64xf32, #tpu.memory_space<vmem>>) target(%dma_start3A_46 : memref<128x64xf32, #tpu.memory_space<vmem_shared>>) target_semaphore(%run_scoped3A_39 : memref<!tpu.dma_semaphore, #tpu.memory_space<semaphore_mem>>)
      %dma_wait3A = arith.constant 0 : i32
      %dma_wait3A_51 = arith.constant 0 : i32
      %dma_wait3A_52 = tpu.memref_slice %arg8[%run_scoped3A_13, %dma_wait3A, %dma_wait3A_51] : memref<2x128x64xf32, #tpu.memory_space<vmem>> -> memref<1x128x64xf32, #tpu.memory_space<vmem>>
      %dma_wait3A_53 = tpu.memref_squeeze %dma_wait3A_52 : memref<1x128x64xf32, #tpu.memory_space<vmem>> -> memref<128x64xf32, #tpu.memory_space<vmem>>
      %dma_wait3A_54 = arith.constant 0 : i32
      %dma_wait3A_55 = tpu.memref_slice %arg9[%add3A_12, %dma_wait3A_54] : memref<10240x64xf32, #tpu.memory_space<vmem_shared>> -> memref<128x64xf32, #tpu.memory_space<vmem_shared>>
      %dma_wait3A_56 = arith.constant 0 : i32
      %dma_wait3A_57 = tpu.memref_slice %arg9[%add3A_12, %dma_wait3A_56] : memref<10240x64xf32, #tpu.memory_space<vmem_shared>> -> memref<128x64xf32, #tpu.memory_space<vmem_shared>>
      %dma_wait3A_58 = arith.constant 0 : i32
      %dma_wait3A_59 = arith.constant 0 : i32
      %dma_wait3A_60 = tpu.memref_slice %arg8[%run_scoped3A_13, %dma_wait3A_58, %dma_wait3A_59] : memref<2x128x64xf32, #tpu.memory_space<vmem>> -> memref<1x128x64xf32, #tpu.memory_space<vmem>>
      %dma_wait3A_61 = tpu.memref_squeeze %dma_wait3A_60 : memref<1x128x64xf32, #tpu.memory_space<vmem>> -> memref<128x64xf32, #tpu.memory_space<vmem>>
      tpu.wait_dma2 semaphore(%run_scoped3A_39 : memref<!tpu.dma_semaphore, #tpu.memory_space<semaphore_mem>>) src(%dma_wait3A_61 : memref<128x64xf32, #tpu.memory_space<vmem>>) dst(%dma_wait3A_57 : memref<128x64xf32, #tpu.memory_space<vmem_shared>>)
      tpu.yield
    }) : () -> ()
    %mul3A_14 = arith.constant 640 : i32
    %mul3A_15 = arith.muli %arg1, %mul3A_14 : i32
    %add3A_16 = arith.constant 256 : i32
    %add3A_17 = arith.addi %mul3A_15, %add3A_16 : i32
    %run_scoped3A_18 = arith.constant 0 : i32
    "tpu.region"() ({
      %run_scoped3A_39 = tpu.sem_alloc : memref<!tpu.dma_semaphore, #tpu.memory_space<semaphore_mem>>
      %dma_start3A = arith.constant 0 : i32
      %dma_start3A_40 = arith.constant 0 : i32
      %dma_start3A_41 = tpu.memref_slice %arg8[%run_scoped3A_18, %dma_start3A, %dma_start3A_40] : memref<2x128x64xf32, #tpu.memory_space<vmem>> -> memref<1x128x64xf32, #tpu.memory_space<vmem>>
      %dma_start3A_42 = tpu.memref_squeeze %dma_start3A_41 : memref<1x128x64xf32, #tpu.memory_space<vmem>> -> memref<128x64xf32, #tpu.memory_space<vmem>>
      %dma_start3A_43 = arith.constant 0 : i32
      %dma_start3A_44 = tpu.memref_slice %arg9[%add3A_17, %dma_start3A_43] : memref<10240x64xf32, #tpu.memory_space<vmem_shared>> -> memref<128x64xf32, #tpu.memory_space<vmem_shared>>
      %dma_start3A_45 = arith.constant 0 : i32
      %dma_start3A_46 = tpu.memref_slice %arg9[%add3A_17, %dma_start3A_45] : memref<10240x64xf32, #tpu.memory_space<vmem_shared>> -> memref<128x64xf32, #tpu.memory_space<vmem_shared>>
      %dma_start3A_47 = arith.constant 0 : i32
      %dma_start3A_48 = arith.constant 0 : i32
      %dma_start3A_49 = tpu.memref_slice %arg8[%run_scoped3A_18, %dma_start3A_47, %dma_start3A_48] : memref<2x128x64xf32, #tpu.memory_space<vmem>> -> memref<1x128x64xf32, #tpu.memory_space<vmem>>
      %dma_start3A_50 = tpu.memref_squeeze %dma_start3A_49 : memref<1x128x64xf32, #tpu.memory_space<vmem>> -> memref<128x64xf32, #tpu.memory_space<vmem>>
      tpu.enqueue_dma source(%dma_start3A_50 : memref<128x64xf32, #tpu.memory_space<vmem>>) target(%dma_start3A_46 : memref<128x64xf32, #tpu.memory_space<vmem_shared>>) target_semaphore(%run_scoped3A_39 : memref<!tpu.dma_semaphore, #tpu.memory_space<semaphore_mem>>)
      %dma_wait3A = arith.constant 0 : i32
      %dma_wait3A_51 = arith.constant 0 : i32
      %dma_wait3A_52 = tpu.memref_slice %arg8[%run_scoped3A_18, %dma_wait3A, %dma_wait3A_51] : memref<2x128x64xf32, #tpu.memory_space<vmem>> -> memref<1x128x64xf32, #tpu.memory_space<vmem>>
      %dma_wait3A_53 = tpu.memref_squeeze %dma_wait3A_52 : memref<1x128x64xf32, #tpu.memory_space<vmem>> -> memref<128x64xf32, #tpu.memory_space<vmem>>
      %dma_wait3A_54 = arith.constant 0 : i32
      %dma_wait3A_55 = tpu.memref_slice %arg9[%add3A_17, %dma_wait3A_54] : memref<10240x64xf32, #tpu.memory_space<vmem_shared>> -> memref<128x64xf32, #tpu.memory_space<vmem_shared>>
      %dma_wait3A_56 = arith.constant 0 : i32
      %dma_wait3A_57 = tpu.memref_slice %arg9[%add3A_17, %dma_wait3A_56] : memref<10240x64xf32, #tpu.memory_space<vmem_shared>> -> memref<128x64xf32, #tpu.memory_space<vmem_shared>>
      %dma_wait3A_58 = arith.constant 0 : i32
      %dma_wait3A_59 = arith.constant 0 : i32
      %dma_wait3A_60 = tpu.memref_slice %arg8[%run_scoped3A_18, %dma_wait3A_58, %dma_wait3A_59] : memref<2x128x64xf32, #tpu.memory_space<vmem>> -> memref<1x128x64xf32, #tpu.memory_space<vmem>>
      %dma_wait3A_61 = tpu.memref_squeeze %dma_wait3A_60 : memref<1x128x64xf32, #tpu.memory_space<vmem>> -> memref<128x64xf32, #tpu.memory_space<vmem>>
      tpu.wait_dma2 semaphore(%run_scoped3A_39 : memref<!tpu.dma_semaphore, #tpu.memory_space<semaphore_mem>>) src(%dma_wait3A_61 : memref<128x64xf32, #tpu.memory_space<vmem>>) dst(%dma_wait3A_57 : memref<128x64xf32, #tpu.memory_space<vmem_shared>>)
      tpu.yield
    }) : () -> ()
    %mul3A_19 = arith.constant 640 : i32
    %mul3A_20 = arith.muli %arg1, %mul3A_19 : i32
    %add3A_21 = arith.constant 384 : i32
    %add3A_22 = arith.addi %mul3A_20, %add3A_21 : i32
    %run_scoped3A_23 = arith.constant 0 : i32
    "tpu.region"() ({
      %run_scoped3A_39 = tpu.sem_alloc : memref<!tpu.dma_semaphore, #tpu.memory_space<semaphore_mem>>
      %dma_start3A = arith.constant 0 : i32
      %dma_start3A_40 = arith.constant 0 : i32
      %dma_start3A_41 = tpu.memref_slice %arg8[%run_scoped3A_23, %dma_start3A, %dma_start3A_40] : memref<2x128x64xf32, #tpu.memory_space<vmem>> -> memref<1x128x64xf32, #tpu.memory_space<vmem>>
      %dma_start3A_42 = tpu.memref_squeeze %dma_start3A_41 : memref<1x128x64xf32, #tpu.memory_space<vmem>> -> memref<128x64xf32, #tpu.memory_space<vmem>>
      %dma_start3A_43 = arith.constant 0 : i32
      %dma_start3A_44 = tpu.memref_slice %arg9[%add3A_22, %dma_start3A_43] : memref<10240x64xf32, #tpu.memory_space<vmem_shared>> -> memref<128x64xf32, #tpu.memory_space<vmem_shared>>
      %dma_start3A_45 = arith.constant 0 : i32
      %dma_start3A_46 = tpu.memref_slice %arg9[%add3A_22, %dma_start3A_45] : memref<10240x64xf32, #tpu.memory_space<vmem_shared>> -> memref<128x64xf32, #tpu.memory_space<vmem_shared>>
      %dma_start3A_47 = arith.constant 0 : i32
      %dma_start3A_48 = arith.constant 0 : i32
      %dma_start3A_49 = tpu.memref_slice %arg8[%run_scoped3A_23, %dma_start3A_47, %dma_start3A_48] : memref<2x128x64xf32, #tpu.memory_space<vmem>> -> memref<1x128x64xf32, #tpu.memory_space<vmem>>
      %dma_start3A_50 = tpu.memref_squeeze %dma_start3A_49 : memref<1x128x64xf32, #tpu.memory_space<vmem>> -> memref<128x64xf32, #tpu.memory_space<vmem>>
      tpu.enqueue_dma source(%dma_start3A_50 : memref<128x64xf32, #tpu.memory_space<vmem>>) target(%dma_start3A_46 : memref<128x64xf32, #tpu.memory_space<vmem_shared>>) target_semaphore(%run_scoped3A_39 : memref<!tpu.dma_semaphore, #tpu.memory_space<semaphore_mem>>)
      %dma_wait3A = arith.constant 0 : i32
      %dma_wait3A_51 = arith.constant 0 : i32
      %dma_wait3A_52 = tpu.memref_slice %arg8[%run_scoped3A_23, %dma_wait3A, %dma_wait3A_51] : memref<2x128x64xf32, #tpu.memory_space<vmem>> -> memref<1x128x64xf32, #tpu.memory_space<vmem>>
      %dma_wait3A_53 = tpu.memref_squeeze %dma_wait3A_52 : memref<1x128x64xf32, #tpu.memory_space<vmem>> -> memref<128x64xf32, #tpu.memory_space<vmem>>
      %dma_wait3A_54 = arith.constant 0 : i32
      %dma_wait3A_55 = tpu.memref_slice %arg9[%add3A_22, %dma_wait3A_54] : memref<10240x64xf32, #tpu.memory_space<vmem_shared>> -> memref<128x64xf32, #tpu.memory_space<vmem_shared>>
      %dma_wait3A_56 = arith.constant 0 : i32
      %dma_wait3A_57 = tpu.memref_slice %arg9[%add3A_22, %dma_wait3A_56] : memref<10240x64xf32, #tpu.memory_space<vmem_shared>> -> memref<128x64xf32, #tpu.memory_space<vmem_shared>>
      %dma_wait3A_58 = arith.constant 0 : i32
      %dma_wait3A_59 = arith.constant 0 : i32
      %dma_wait3A_60 = tpu.memref_slice %arg8[%run_scoped3A_23, %dma_wait3A_58, %dma_wait3A_59] : memref<2x128x64xf32, #tpu.memory_space<vmem>> -> memref<1x128x64xf32, #tpu.memory_space<vmem>>
      %dma_wait3A_61 = tpu.memref_squeeze %dma_wait3A_60 : memref<1x128x64xf32, #tpu.memory_space<vmem>> -> memref<128x64xf32, #tpu.memory_space<vmem>>
      tpu.wait_dma2 semaphore(%run_scoped3A_39 : memref<!tpu.dma_semaphore, #tpu.memory_space<semaphore_mem>>) src(%dma_wait3A_61 : memref<128x64xf32, #tpu.memory_space<vmem>>) dst(%dma_wait3A_57 : memref<128x64xf32, #tpu.memory_space<vmem_shared>>)
      tpu.yield
    }) : () -> ()
    %mul3A_24 = arith.constant 640 : i32
    %mul3A_25 = arith.muli %arg1, %mul3A_24 : i32
    %add3A_26 = arith.constant 512 : i32
    %add3A_27 = arith.addi %mul3A_25, %add3A_26 : i32
    %run_scoped3A_28 = arith.constant 0 : i32
    "tpu.region"() ({
      %run_scoped3A_39 = tpu.sem_alloc : memref<!tpu.dma_semaphore, #tpu.memory_space<semaphore_mem>>
      %dma_start3A = arith.constant 0 : i32
      %dma_start3A_40 = arith.constant 0 : i32
      %dma_start3A_41 = tpu.memref_slice %arg8[%run_scoped3A_28, %dma_start3A, %dma_start3A_40] : memref<2x128x64xf32, #tpu.memory_space<vmem>> -> memref<1x128x64xf32, #tpu.memory_space<vmem>>
      %dma_start3A_42 = tpu.memref_squeeze %dma_start3A_41 : memref<1x128x64xf32, #tpu.memory_space<vmem>> -> memref<128x64xf32, #tpu.memory_space<vmem>>
      %dma_start3A_43 = arith.constant 0 : i32
      %dma_start3A_44 = tpu.memref_slice %arg9[%add3A_27, %dma_start3A_43] : memref<10240x64xf32, #tpu.memory_space<vmem_shared>> -> memref<128x64xf32, #tpu.memory_space<vmem_shared>>
      %dma_start3A_45 = arith.constant 0 : i32
      %dma_start3A_46 = tpu.memref_slice %arg9[%add3A_27, %dma_start3A_45] : memref<10240x64xf32, #tpu.memory_space<vmem_shared>> -> memref<128x64xf32, #tpu.memory_space<vmem_shared>>
      %dma_start3A_47 = arith.constant 0 : i32
      %dma_start3A_48 = arith.constant 0 : i32
      %dma_start3A_49 = tpu.memref_slice %arg8[%run_scoped3A_28, %dma_start3A_47, %dma_start3A_48] : memref<2x128x64xf32, #tpu.memory_space<vmem>> -> memref<1x128x64xf32, #tpu.memory_space<vmem>>
      %dma_start3A_50 = tpu.memref_squeeze %dma_start3A_49 : memref<1x128x64xf32, #tpu.memory_space<vmem>> -> memref<128x64xf32, #tpu.memory_space<vmem>>
      tpu.enqueue_dma source(%dma_start3A_50 : memref<128x64xf32, #tpu.memory_space<vmem>>) target(%dma_start3A_46 : memref<128x64xf32, #tpu.memory_space<vmem_shared>>) target_semaphore(%run_scoped3A_39 : memref<!tpu.dma_semaphore, #tpu.memory_space<semaphore_mem>>)
      %dma_wait3A = arith.constant 0 : i32
      %dma_wait3A_51 = arith.constant 0 : i32
      %dma_wait3A_52 = tpu.memref_slice %arg8[%run_scoped3A_28, %dma_wait3A, %dma_wait3A_51] : memref<2x128x64xf32, #tpu.memory_space<vmem>> -> memref<1x128x64xf32, #tpu.memory_space<vmem>>
      %dma_wait3A_53 = tpu.memref_squeeze %dma_wait3A_52 : memref<1x128x64xf32, #tpu.memory_space<vmem>> -> memref<128x64xf32, #tpu.memory_space<vmem>>
      %dma_wait3A_54 = arith.constant 0 : i32
      %dma_wait3A_55 = tpu.memref_slice %arg9[%add3A_27, %dma_wait3A_54] : memref<10240x64xf32, #tpu.memory_space<vmem_shared>> -> memref<128x64xf32, #tpu.memory_space<vmem_shared>>
      %dma_wait3A_56 = arith.constant 0 : i32
      %dma_wait3A_57 = tpu.memref_slice %arg9[%add3A_27, %dma_wait3A_56] : memref<10240x64xf32, #tpu.memory_space<vmem_shared>> -> memref<128x64xf32, #tpu.memory_space<vmem_shared>>
      %dma_wait3A_58 = arith.constant 0 : i32
      %dma_wait3A_59 = arith.constant 0 : i32
      %dma_wait3A_60 = tpu.memref_slice %arg8[%run_scoped3A_28, %dma_wait3A_58, %dma_wait3A_59] : memref<2x128x64xf32, #tpu.memory_space<vmem>> -> memref<1x128x64xf32, #tpu.memory_space<vmem>>
      %dma_wait3A_61 = tpu.memref_squeeze %dma_wait3A_60 : memref<1x128x64xf32, #tpu.memory_space<vmem>> -> memref<128x64xf32, #tpu.memory_space<vmem>>
      tpu.wait_dma2 semaphore(%run_scoped3A_39 : memref<!tpu.dma_semaphore, #tpu.memory_space<semaphore_mem>>) src(%dma_wait3A_61 : memref<128x64xf32, #tpu.memory_space<vmem>>) dst(%dma_wait3A_57 : memref<128x64xf32, #tpu.memory_space<vmem_shared>>)
      tpu.yield
    }) : () -> ()
    %barrier3A = arith.constant 0 : index
    tpu.barrier barrier_id(%barrier3A)
    %scan3A_29 = arith.constant 0 : i32
    %scan3A_30 = arith.constant 2 : i32
    %scan3A_31 = arith.addi %scan3A_29, %scan3A_30 : i32
    %scan3A_32 = arith.constant 1 : i32
    scf.for %scan3A_39 = %scan3A_29 to %scan3A_31 step %scan3A_32  : i32 {
      %mul3A_40 = arith.constant 40 : i32
      %mul3A_41 = arith.muli %scan3A_39, %mul3A_40 : i32
      "tpu.region"() ({
        %run_scoped3A_49 = tpu.sem_alloc : memref<!tpu.dma_semaphore, #tpu.memory_space<semaphore_mem>>
        %dma_start3A = arith.constant 0 : i32
        %dma_start3A_50 = tpu.memref_slice %arg3[%add3A, %mul3A_41, %dma_start3A] : memref<32x80x128xi32, #tpu.memory_space<hbm>> -> memref<1x40x128xi32, #tpu.memory_space<hbm>>
        %dma_start3A_51 = tpu.memref_squeeze %dma_start3A_50 : memref<1x40x128xi32, #tpu.memory_space<hbm>> -> memref<40x128xi32, #tpu.memory_space<hbm>>
        %dma_start3A_52 = arith.constant 0 : i32
        %dma_start3A_53 = tpu.memref_slice %arg3[%add3A, %mul3A_41, %dma_start3A_52] : memref<32x80x128xi32, #tpu.memory_space<hbm>> -> memref<1x40x128xi32, #tpu.memory_space<hbm>>
        %dma_start3A_54 = tpu.memref_squeeze %dma_start3A_53 : memref<1x40x128xi32, #tpu.memory_space<hbm>> -> memref<40x128xi32, #tpu.memory_space<hbm>>
        tpu.enqueue_dma source(%dma_start3A_54 : memref<40x128xi32, #tpu.memory_space<hbm>>) target(%arg6 : memref<40x128xi32, #tpu.memory_space<vmem>>) target_semaphore(%run_scoped3A_49 : memref<!tpu.dma_semaphore, #tpu.memory_space<semaphore_mem>>)
        %dma_wait3A = arith.constant 0 : i32
        %dma_wait3A_55 = tpu.memref_slice %arg3[%add3A, %mul3A_41, %dma_wait3A] : memref<32x80x128xi32, #tpu.memory_space<hbm>> -> memref<1x40x128xi32, #tpu.memory_space<hbm>>
        %dma_wait3A_56 = tpu.memref_squeeze %dma_wait3A_55 : memref<1x40x128xi32, #tpu.memory_space<hbm>> -> memref<40x128xi32, #tpu.memory_space<hbm>>
        %dma_wait3A_57 = arith.constant 0 : i32
        %dma_wait3A_58 = tpu.memref_slice %arg3[%add3A, %mul3A_41, %dma_wait3A_57] : memref<32x80x128xi32, #tpu.memory_space<hbm>> -> memref<1x40x128xi32, #tpu.memory_space<hbm>>
        %dma_wait3A_59 = tpu.memref_squeeze %dma_wait3A_58 : memref<1x40x128xi32, #tpu.memory_space<hbm>> -> memref<40x128xi32, #tpu.memory_space<hbm>>
        tpu.wait_dma2 semaphore(%run_scoped3A_49 : memref<!tpu.dma_semaphore, #tpu.memory_space<semaphore_mem>>) src(%dma_wait3A_59 : memref<40x128xi32, #tpu.memory_space<hbm>>) dst(%arg6 : memref<40x128xi32, #tpu.memory_space<vmem>>)
        tpu.yield
      }) : () -> ()
      %mul3A_42 = arith.constant 40 : i32
      %mul3A_43 = arith.muli %scan3A_39, %mul3A_42 : i32
      "tpu.region"() ({
        %run_scoped3A_49 = tpu.sem_alloc : memref<!tpu.dma_semaphore, #tpu.memory_space<semaphore_mem>>
        %dma_start3A = arith.constant 0 : i32
        %dma_start3A_50 = tpu.memref_slice %arg4[%add3A, %mul3A_43, %dma_start3A] : memref<32x80x128xi32, #tpu.memory_space<hbm>> -> memref<1x40x128xi32, #tpu.memory_space<hbm>>
        %dma_start3A_51 = tpu.memref_squeeze %dma_start3A_50 : memref<1x40x128xi32, #tpu.memory_space<hbm>> -> memref<40x128xi32, #tpu.memory_space<hbm>>
        %dma_start3A_52 = arith.constant 0 : i32
        %dma_start3A_53 = tpu.memref_slice %arg4[%add3A, %mul3A_43, %dma_start3A_52] : memref<32x80x128xi32, #tpu.memory_space<hbm>> -> memref<1x40x128xi32, #tpu.memory_space<hbm>>
        %dma_start3A_54 = tpu.memref_squeeze %dma_start3A_53 : memref<1x40x128xi32, #tpu.memory_space<hbm>> -> memref<40x128xi32, #tpu.memory_space<hbm>>
        tpu.enqueue_dma source(%dma_start3A_54 : memref<40x128xi32, #tpu.memory_space<hbm>>) target(%arg7 : memref<40x128xi32, #tpu.memory_space<vmem>>) target_semaphore(%run_scoped3A_49 : memref<!tpu.dma_semaphore, #tpu.memory_space<semaphore_mem>>)
        %dma_wait3A = arith.constant 0 : i32
        %dma_wait3A_55 = tpu.memref_slice %arg4[%add3A, %mul3A_43, %dma_wait3A] : memref<32x80x128xi32, #tpu.memory_space<hbm>> -> memref<1x40x128xi32, #tpu.memory_space<hbm>>
        %dma_wait3A_56 = tpu.memref_squeeze %dma_wait3A_55 : memref<1x40x128xi32, #tpu.memory_space<hbm>> -> memref<40x128xi32, #tpu.memory_space<hbm>>
        %dma_wait3A_57 = arith.constant 0 : i32
        %dma_wait3A_58 = tpu.memref_slice %arg4[%add3A, %mul3A_43, %dma_wait3A_57] : memref<32x80x128xi32, #tpu.memory_space<hbm>> -> memref<1x40x128xi32, #tpu.memory_space<hbm>>
        %dma_wait3A_59 = tpu.memref_squeeze %dma_wait3A_58 : memref<1x40x128xi32, #tpu.memory_space<hbm>> -> memref<40x128xi32, #tpu.memory_space<hbm>>
        tpu.wait_dma2 semaphore(%run_scoped3A_49 : memref<!tpu.dma_semaphore, #tpu.memory_space<semaphore_mem>>) src(%dma_wait3A_59 : memref<40x128xi32, #tpu.memory_space<hbm>>) dst(%arg7 : memref<40x128xi32, #tpu.memory_space<vmem>>)
        tpu.yield
      }) : () -> ()
      %scan3A_44 = arith.constant 0 : i32
      %scan3A_45 = arith.constant 20 : i32
      %scan3A_46 = arith.addi %scan3A_44, %scan3A_45 : i32
      %scan3A_47 = arith.constant 1 : i32
      scf.for %scan3A_49 = %scan3A_44 to %scan3A_46 step %scan3A_47  : i32 {
        %mul3A_50 = arith.constant 2 : i32
        %mul3A_51 = arith.muli %scan3A_49, %mul3A_50 : i32
        %add3A_52 = arith.constant 0 : i32
        %add3A_53 = arith.addi %mul3A_51, %add3A_52 : i32
        %dma_start3A = arith.constant 0 : i32
        %dma_start3A_54 = arith.constant 0 : i32
        %dma_start3A_55 = arith.constant 0 : i32
        %dma_start3A_56 = tpu.memref_slice %arg8[%dma_start3A, %dma_start3A_54, %dma_start3A_55] : memref<2x128x64xf32, #tpu.memory_space<vmem>> -> memref<1x128x64xf32, #tpu.memory_space<vmem>>
        %dma_start3A_57 = tpu.memref_squeeze %dma_start3A_56 : memref<1x128x64xf32, #tpu.memory_space<vmem>> -> memref<128x64xf32, #tpu.memory_space<vmem>>
        %dma_start3A_58 = arith.constant 0 : i32
        %dma_start3A_59 = tpu.memref_slice %arg6[%add3A_53, %dma_start3A_58] : memref<40x128xi32, #tpu.memory_space<vmem>> -> memref<1x128xi32, #tpu.memory_space<vmem>>
        %dma_start3A_60 = tpu.memref_squeeze %dma_start3A_59 : memref<1x128xi32, #tpu.memory_space<vmem>> -> memref<128xi32, #tpu.memory_space<vmem>>
        %dma_start3A_61 = arith.constant 0 : i32
        %dma_start3A_62 = arith.constant 0 : i32
        %dma_start3A_63 = tpu.memref_slice %arg2[%dma_start3A_61, %dma_start3A_62] : memref<10240x64xf32, #tpu.memory_space<hbm>> -> memref<10240x64xf32, #tpu.memory_space<hbm>>
        tpu.enqueue_indirect_dma source(%dma_start3A_63 : memref<10240x64xf32, #tpu.memory_space<hbm>>) target(%dma_start3A_57 : memref<128x64xf32, #tpu.memory_space<vmem>>) offsets(%dma_start3A_60 : memref<128xi32, #tpu.memory_space<vmem>>) semaphore(%arg10 : memref<!tpu.dma_semaphore, #tpu.memory_space<semaphore_mem>>)
        %add3A_64 = arith.constant 1 : i32
        %add3A_65 = arith.addi %mul3A_51, %add3A_64 : i32
        %dma_start3A_66 = arith.constant 1 : i32
        %dma_start3A_67 = arith.constant 0 : i32
        %dma_start3A_68 = arith.constant 0 : i32
        %dma_start3A_69 = tpu.memref_slice %arg8[%dma_start3A_66, %dma_start3A_67, %dma_start3A_68] : memref<2x128x64xf32, #tpu.memory_space<vmem>> -> memref<1x128x64xf32, #tpu.memory_space<vmem>>
        %dma_start3A_70 = tpu.memref_squeeze %dma_start3A_69 : memref<1x128x64xf32, #tpu.memory_space<vmem>> -> memref<128x64xf32, #tpu.memory_space<vmem>>
        %dma_start3A_71 = arith.constant 0 : i32
        %dma_start3A_72 = tpu.memref_slice %arg6[%add3A_65, %dma_start3A_71] : memref<40x128xi32, #tpu.memory_space<vmem>> -> memref<1x128xi32, #tpu.memory_space<vmem>>
        %dma_start3A_73 = tpu.memref_squeeze %dma_start3A_72 : memref<1x128xi32, #tpu.memory_space<vmem>> -> memref<128xi32, #tpu.memory_space<vmem>>
        %dma_start3A_74 = arith.constant 0 : i32
        %dma_start3A_75 = arith.constant 0 : i32
        %dma_start3A_76 = tpu.memref_slice %arg2[%dma_start3A_74, %dma_start3A_75] : memref<10240x64xf32, #tpu.memory_space<hbm>> -> memref<10240x64xf32, #tpu.memory_space<hbm>>
        tpu.enqueue_indirect_dma source(%dma_start3A_76 : memref<10240x64xf32, #tpu.memory_space<hbm>>) target(%dma_start3A_70 : memref<128x64xf32, #tpu.memory_space<vmem>>) offsets(%dma_start3A_73 : memref<128xi32, #tpu.memory_space<vmem>>) semaphore(%arg11 : memref<!tpu.dma_semaphore, #tpu.memory_space<semaphore_mem>>)
        %dma_wait3A = arith.constant 0 : i32
        %dma_wait3A_77 = arith.constant 0 : i32
        %dma_wait3A_78 = arith.constant 0 : i32
        %dma_wait3A_79 = tpu.memref_slice %arg8[%dma_wait3A, %dma_wait3A_77, %dma_wait3A_78] : memref<2x128x64xf32, #tpu.memory_space<vmem>> -> memref<1x128x64xf32, #tpu.memory_space<vmem>>
        %dma_wait3A_80 = tpu.memref_squeeze %dma_wait3A_79 : memref<1x128x64xf32, #tpu.memory_space<vmem>> -> memref<128x64xf32, #tpu.memory_space<vmem>>
        %dma_wait3A_81 = arith.constant 0 : i32
        %dma_wait3A_82 = tpu.memref_slice %arg6[%add3A_53, %dma_wait3A_81] : memref<40x128xi32, #tpu.memory_space<vmem>> -> memref<1x128xi32, #tpu.memory_space<vmem>>
        %dma_wait3A_83 = tpu.memref_squeeze %dma_wait3A_82 : memref<1x128xi32, #tpu.memory_space<vmem>> -> memref<128xi32, #tpu.memory_space<vmem>>
        %dma_wait3A_84 = arith.constant 0 : i32
        %dma_wait3A_85 = arith.constant 0 : i32
        %dma_wait3A_86 = tpu.memref_slice %arg2[%dma_wait3A_84, %dma_wait3A_85] : memref<10240x64xf32, #tpu.memory_space<hbm>> -> memref<10240x64xf32, #tpu.memory_space<hbm>>
        tpu.wait_indirect_dma semaphore(%arg10 : memref<!tpu.dma_semaphore, #tpu.memory_space<semaphore_mem>>) src(%dma_wait3A_86 : memref<10240x64xf32, #tpu.memory_space<hbm>>) dst(%dma_wait3A_80 : memref<128x64xf32, #tpu.memory_space<vmem>>)
        %add3A_87 = arith.constant 0 : i32
        %add3A_88 = arith.addi %mul3A_51, %add3A_87 : i32
        %run_scoped3A_89 = arith.constant 0 : i32
        "tpu.region"() ({
          %run_scoped3A_104 = tpu.sem_alloc : memref<!tpu.dma_semaphore, #tpu.memory_space<semaphore_mem>>
          %dma_start3A_105 = arith.constant 0 : i32
          %dma_start3A_106 = arith.constant 0 : i32
          %dma_start3A_107 = tpu.memref_slice %arg8[%run_scoped3A_89, %dma_start3A_105, %dma_start3A_106] : memref<2x128x64xf32, #tpu.memory_space<vmem>> -> memref<1x128x64xf32, #tpu.memory_space<vmem>>
          %dma_start3A_108 = tpu.memref_squeeze %dma_start3A_107 : memref<1x128x64xf32, #tpu.memory_space<vmem>> -> memref<128x64xf32, #tpu.memory_space<vmem>>
          %dma_start3A_109 = arith.constant 0 : i32
          %dma_start3A_110 = tpu.memref_slice %arg7[%add3A_88, %dma_start3A_109] : memref<40x128xi32, #tpu.memory_space<vmem>> -> memref<1x128xi32, #tpu.memory_space<vmem>>
          %dma_start3A_111 = tpu.memref_squeeze %dma_start3A_110 : memref<1x128xi32, #tpu.memory_space<vmem>> -> memref<128xi32, #tpu.memory_space<vmem>>
          %dma_start3A_112 = arith.constant 0 : i32
          %dma_start3A_113 = arith.constant 0 : i32
          %dma_start3A_114 = tpu.memref_slice %arg9[%dma_start3A_112, %dma_start3A_113] : memref<10240x64xf32, #tpu.memory_space<vmem_shared>> -> memref<10240x64xf32, #tpu.memory_space<vmem_shared>>
          tpu.enqueue_indirect_dma source(%dma_start3A_108 : memref<128x64xf32, #tpu.memory_space<vmem>>) target(%dma_start3A_114 : memref<10240x64xf32, #tpu.memory_space<vmem_shared>>) offsets(%dma_start3A_111 : memref<128xi32, #tpu.memory_space<vmem>>) semaphore(%run_scoped3A_104 : memref<!tpu.dma_semaphore, #tpu.memory_space<semaphore_mem>>) {add = true}
          %dma_wait3A_115 = arith.constant 0 : i32
          %dma_wait3A_116 = arith.constant 0 : i32
          %dma_wait3A_117 = tpu.memref_slice %arg8[%run_scoped3A_89, %dma_wait3A_115, %dma_wait3A_116] : memref<2x128x64xf32, #tpu.memory_space<vmem>> -> memref<1x128x64xf32, #tpu.memory_space<vmem>>
          %dma_wait3A_118 = tpu.memref_squeeze %dma_wait3A_117 : memref<1x128x64xf32, #tpu.memory_space<vmem>> -> memref<128x64xf32, #tpu.memory_space<vmem>>
          %dma_wait3A_119 = arith.constant 0 : i32
          %dma_wait3A_120 = tpu.memref_slice %arg7[%add3A_88, %dma_wait3A_119] : memref<40x128xi32, #tpu.memory_space<vmem>> -> memref<1x128xi32, #tpu.memory_space<vmem>>
          %dma_wait3A_121 = tpu.memref_squeeze %dma_wait3A_120 : memref<1x128xi32, #tpu.memory_space<vmem>> -> memref<128xi32, #tpu.memory_space<vmem>>
          %dma_wait3A_122 = arith.constant 0 : i32
          %dma_wait3A_123 = arith.constant 0 : i32
          %dma_wait3A_124 = tpu.memref_slice %arg9[%dma_wait3A_122, %dma_wait3A_123] : memref<10240x64xf32, #tpu.memory_space<vmem_shared>> -> memref<10240x64xf32, #tpu.memory_space<vmem_shared>>
          tpu.wait_indirect_dma semaphore(%run_scoped3A_104 : memref<!tpu.dma_semaphore, #tpu.memory_space<semaphore_mem>>) src(%dma_wait3A_118 : memref<128x64xf32, #tpu.memory_space<vmem>>) dst(%dma_wait3A_124 : memref<10240x64xf32, #tpu.memory_space<vmem_shared>>)
          tpu.yield
        }) : () -> ()
        %dma_wait3A_90 = arith.constant 1 : i32
        %dma_wait3A_91 = arith.constant 0 : i32
        %dma_wait3A_92 = arith.constant 0 : i32
        %dma_wait3A_93 = tpu.memref_slice %arg8[%dma_wait3A_90, %dma_wait3A_91, %dma_wait3A_92] : memref<2x128x64xf32, #tpu.memory_space<vmem>> -> memref<1x128x64xf32, #tpu.memory_space<vmem>>
        %dma_wait3A_94 = tpu.memref_squeeze %dma_wait3A_93 : memref<1x128x64xf32, #tpu.memory_space<vmem>> -> memref<128x64xf32, #tpu.memory_space<vmem>>
        %dma_wait3A_95 = arith.constant 0 : i32
        %dma_wait3A_96 = tpu.memref_slice %arg6[%add3A_65, %dma_wait3A_95] : memref<40x128xi32, #tpu.memory_space<vmem>> -> memref<1x128xi32, #tpu.memory_space<vmem>>
        %dma_wait3A_97 = tpu.memref_squeeze %dma_wait3A_96 : memref<1x128xi32, #tpu.memory_space<vmem>> -> memref<128xi32, #tpu.memory_space<vmem>>
        %dma_wait3A_98 = arith.constant 0 : i32
        %dma_wait3A_99 = arith.constant 0 : i32
        %dma_wait3A_100 = tpu.memref_slice %arg2[%dma_wait3A_98, %dma_wait3A_99] : memref<10240x64xf32, #tpu.memory_space<hbm>> -> memref<10240x64xf32, #tpu.memory_space<hbm>>
        tpu.wait_indirect_dma semaphore(%arg11 : memref<!tpu.dma_semaphore, #tpu.memory_space<semaphore_mem>>) src(%dma_wait3A_100 : memref<10240x64xf32, #tpu.memory_space<hbm>>) dst(%dma_wait3A_94 : memref<128x64xf32, #tpu.memory_space<vmem>>)
        %add3A_101 = arith.constant 1 : i32
        %add3A_102 = arith.addi %mul3A_51, %add3A_101 : i32
        %run_scoped3A_103 = arith.constant 1 : i32
        "tpu.region"() ({
          %run_scoped3A_104 = tpu.sem_alloc : memref<!tpu.dma_semaphore, #tpu.memory_space<semaphore_mem>>
          %dma_start3A_105 = arith.constant 0 : i32
          %dma_start3A_106 = arith.constant 0 : i32
          %dma_start3A_107 = tpu.memref_slice %arg8[%run_scoped3A_103, %dma_start3A_105, %dma_start3A_106] : memref<2x128x64xf32, #tpu.memory_space<vmem>> -> memref<1x128x64xf32, #tpu.memory_space<vmem>>
          %dma_start3A_108 = tpu.memref_squeeze %dma_start3A_107 : memref<1x128x64xf32, #tpu.memory_space<vmem>> -> memref<128x64xf32, #tpu.memory_space<vmem>>
          %dma_start3A_109 = arith.constant 0 : i32
          %dma_start3A_110 = tpu.memref_slice %arg7[%add3A_102, %dma_start3A_109] : memref<40x128xi32, #tpu.memory_space<vmem>> -> memref<1x128xi32, #tpu.memory_space<vmem>>
          %dma_start3A_111 = tpu.memref_squeeze %dma_start3A_110 : memref<1x128xi32, #tpu.memory_space<vmem>> -> memref<128xi32, #tpu.memory_space<vmem>>
          %dma_start3A_112 = arith.constant 0 : i32
          %dma_start3A_113 = arith.constant 0 : i32
          %dma_start3A_114 = tpu.memref_slice %arg9[%dma_start3A_112, %dma_start3A_113] : memref<10240x64xf32, #tpu.memory_space<vmem_shared>> -> memref<10240x64xf32, #tpu.memory_space<vmem_shared>>
          tpu.enqueue_indirect_dma source(%dma_start3A_108 : memref<128x64xf32, #tpu.memory_space<vmem>>) target(%dma_start3A_114 : memref<10240x64xf32, #tpu.memory_space<vmem_shared>>) offsets(%dma_start3A_111 : memref<128xi32, #tpu.memory_space<vmem>>) semaphore(%run_scoped3A_104 : memref<!tpu.dma_semaphore, #tpu.memory_space<semaphore_mem>>) {add = true}
          %dma_wait3A_115 = arith.constant 0 : i32
          %dma_wait3A_116 = arith.constant 0 : i32
          %dma_wait3A_117 = tpu.memref_slice %arg8[%run_scoped3A_103, %dma_wait3A_115, %dma_wait3A_116] : memref<2x128x64xf32, #tpu.memory_space<vmem>> -> memref<1x128x64xf32, #tpu.memory_space<vmem>>
          %dma_wait3A_118 = tpu.memref_squeeze %dma_wait3A_117 : memref<1x128x64xf32, #tpu.memory_space<vmem>> -> memref<128x64xf32, #tpu.memory_space<vmem>>
          %dma_wait3A_119 = arith.constant 0 : i32
          %dma_wait3A_120 = tpu.memref_slice %arg7[%add3A_102, %dma_wait3A_119] : memref<40x128xi32, #tpu.memory_space<vmem>> -> memref<1x128xi32, #tpu.memory_space<vmem>>
          %dma_wait3A_121 = tpu.memref_squeeze %dma_wait3A_120 : memref<1x128xi32, #tpu.memory_space<vmem>> -> memref<128xi32, #tpu.memory_space<vmem>>
          %dma_wait3A_122 = arith.constant 0 : i32
          %dma_wait3A_123 = arith.constant 0 : i32
          %dma_wait3A_124 = tpu.memref_slice %arg9[%dma_wait3A_122, %dma_wait3A_123] : memref<10240x64xf32, #tpu.memory_space<vmem_shared>> -> memref<10240x64xf32, #tpu.memory_space<vmem_shared>>
          tpu.wait_indirect_dma semaphore(%run_scoped3A_104 : memref<!tpu.dma_semaphore, #tpu.memory_space<semaphore_mem>>) src(%dma_wait3A_118 : memref<128x64xf32, #tpu.memory_space<vmem>>) dst(%dma_wait3A_124 : memref<10240x64xf32, #tpu.memory_space<vmem_shared>>)
          tpu.yield
        }) : () -> ()
      }
      %scan3A_48 = arith.constant 20 : i32
    }
    %scan3A_33 = arith.constant 2 : i32
    %barrier3A_34 = arith.constant 0 : index
    tpu.barrier barrier_id(%barrier3A_34)
    %mul3A_35 = arith.constant 640 : i32
    %mul3A_36 = arith.muli %arg1, %mul3A_35 : i32
    %mul3A_37 = arith.constant 640 : i32
    %mul3A_38 = arith.muli %arg1, %mul3A_37 : i32
    "tpu.region"() ({
      %run_scoped3A_39 = tpu.sem_alloc : memref<!tpu.dma_semaphore, #tpu.memory_space<semaphore_mem>>
      %dma_start3A = arith.constant 0 : i32
      %dma_start3A_40 = tpu.memref_slice %arg5[%arg0, %mul3A_38, %dma_start3A] : memref<2x10240x64xf32, #tpu.memory_space<hbm>> -> memref<1x640x64xf32, #tpu.memory_space<hbm>>
      %dma_start3A_41 = tpu.memref_squeeze %dma_start3A_40 : memref<1x640x64xf32, #tpu.memory_space<hbm>> -> memref<640x64xf32, #tpu.memory_space<hbm>>
      %dma_start3A_42 = arith.constant 0 : i32
      %dma_start3A_43 = tpu.memref_slice %arg9[%mul3A_36, %dma_start3A_42] : memref<10240x64xf32, #tpu.memory_space<vmem_shared>> -> memref<640x64xf32, #tpu.memory_space<vmem_shared>>
      tpu.enqueue_dma source(%dma_start3A_43 : memref<640x64xf32, #tpu.memory_space<vmem_shared>>) target(%dma_start3A_41 : memref<640x64xf32, #tpu.memory_space<hbm>>) target_semaphore(%run_scoped3A_39 : memref<!tpu.dma_semaphore, #tpu.memory_space<semaphore_mem>>)
      %dma_wait3A = arith.constant 0 : i32
      %dma_wait3A_44 = tpu.memref_slice %arg5[%arg0, %mul3A_38, %dma_wait3A] : memref<2x10240x64xf32, #tpu.memory_space<hbm>> -> memref<1x640x64xf32, #tpu.memory_space<hbm>>
      %dma_wait3A_45 = tpu.memref_squeeze %dma_wait3A_44 : memref<1x640x64xf32, #tpu.memory_space<hbm>> -> memref<640x64xf32, #tpu.memory_space<hbm>>
      %dma_wait3A_46 = arith.constant 0 : i32
      %dma_wait3A_47 = tpu.memref_slice %arg9[%mul3A_36, %dma_wait3A_46] : memref<10240x64xf32, #tpu.memory_space<vmem_shared>> -> memref<640x64xf32, #tpu.memory_space<vmem_shared>>
      tpu.wait_dma2 semaphore(%run_scoped3A_39 : memref<!tpu.dma_semaphore, #tpu.memory_space<semaphore_mem>>) src(%dma_wait3A_47 : memref<640x64xf32, #tpu.memory_space<vmem_shared>>) dst(%dma_wait3A_45 : memref<640x64xf32, #tpu.memory_space<hbm>>)
      tpu.yield
    }) : () -> ()
    return
  }
}

#map = affine_map<(d0, d1) -> (0, 0)>
#map1 = affine_map<(d0, d1) -> (0, 0, 0)>
module attributes {stable_mosaic.version = 14 : i64} {
  func.func @agg(%arg0: i32, %arg1: i32, %arg2: memref<10240x128xf32, #tpu.memory_space<hbm>>, %arg3: memref<32x80x128xi32, #tpu.memory_space<hbm>>, %arg4: memref<32x80x128xi32, #tpu.memory_space<hbm>>, %arg5: memref<2x10240x128xf32, #tpu.memory_space<hbm>>, %arg6: memref<40x128xi32, #tpu.memory_space<vmem>>, %arg7: memref<40x128xi32, #tpu.memory_space<vmem>>, %arg8: memref<2x128x128xf32, #tpu.memory_space<vmem>>, %arg9: memref<10240x128xf32, #tpu.memory_space<vmem_shared>>, %arg10: memref<!tpu.dma_semaphore, #tpu.memory_space<semaphore_mem>>, %arg11: memref<!tpu.dma_semaphore, #tpu.memory_space<semaphore_mem>>) attributes {dimension_semantics = [#tpu.dimension_semantics<core_parallel>, #tpu.dimension_semantics<subcore_parallel>], iteration_bounds = array<i64: 2, 16>, scalar_prefetch = 0 : i64, scratch_operands = 6 : i64, tpu.core_type = #tpu.core_type<sc_vector_subcore>, window_params = [{transform_indices = #map}, {transform_indices = #map1}, {transform_indices = #map1}, {transform_indices = #map1}]} {
    %mul3A = arith.constant 16 : i32
    %mul3A_0 = arith.muli %arg0, %mul3A : i32
    %add3A = arith.addi %mul3A_0, %arg1 : i32
    %scan3A = arith.constant 0 : i32
    %scan3A_1 = arith.constant 128 : i32
    %scan3A_2 = arith.addi %scan3A, %scan3A_1 : i32
    %scan3A_3 = arith.constant 1 : i32
    scf.for %scan3A_39 = %scan3A to %scan3A_2 step %scan3A_3  : i32 {
      %broadcast_in_dim3A = arith.constant 0.000000e+00 : f32
      %broadcast_in_dim3A_40 = vector.broadcast %broadcast_in_dim3A : f32 to vector<16xf32>
      %swap3A = arith.constant 0 : i32
      %swap3A_41 = arith.index_cast %swap3A : i32 to index
      %swap3A_42 = arith.index_cast %scan3A_39 : i32 to index
      %swap3A_43 = arith.constant 0 : index
      %swap3A_44 = tpu.vector_load %arg8[%swap3A_41, %swap3A_42, %swap3A_43] {strides = array<i32>} : memref<2x128x128xf32, #tpu.memory_space<vmem>>, vector<1x1x16xf32>,
      %swap3A_45 = vector.shape_cast %swap3A_44 : vector<1x1x16xf32> to vector<16xf32>
      %swap3A_46 = vector.shape_cast %broadcast_in_dim3A_40 : vector<16xf32> to vector<1x1x16xf32>
      tpu.vector_store %arg8[%swap3A_41, %swap3A_42, %swap3A_43], %swap3A_46 {strides = array<i32>} : memref<2x128x128xf32, #tpu.memory_space<vmem>>, vector<1x1x16xf32>,
      %broadcast_in_dim3A_47 = arith.constant 0.000000e+00 : f32
      %broadcast_in_dim3A_48 = vector.broadcast %broadcast_in_dim3A_47 : f32 to vector<16xf32>
      %swap3A_49 = arith.constant 0 : i32
      %swap3A_50 = arith.index_cast %swap3A_49 : i32 to index
      %swap3A_51 = arith.index_cast %scan3A_39 : i32 to index
      %swap3A_52 = arith.constant 16 : index
      %swap3A_53 = tpu.vector_load %arg8[%swap3A_50, %swap3A_51, %swap3A_52] {strides = array<i32>} : memref<2x128x128xf32, #tpu.memory_space<vmem>>, vector<1x1x16xf32>,
      %swap3A_54 = vector.shape_cast %swap3A_53 : vector<1x1x16xf32> to vector<16xf32>
      %swap3A_55 = vector.shape_cast %broadcast_in_dim3A_48 : vector<16xf32> to vector<1x1x16xf32>
      tpu.vector_store %arg8[%swap3A_50, %swap3A_51, %swap3A_52], %swap3A_55 {strides = array<i32>} : memref<2x128x128xf32, #tpu.memory_space<vmem>>, vector<1x1x16xf32>,
      %broadcast_in_dim3A_56 = arith.constant 0.000000e+00 : f32
      %broadcast_in_dim3A_57 = vector.broadcast %broadcast_in_dim3A_56 : f32 to vector<16xf32>
      %swap3A_58 = arith.constant 0 : i32
      %swap3A_59 = arith.index_cast %swap3A_58 : i32 to index
      %swap3A_60 = arith.index_cast %scan3A_39 : i32 to index
      %swap3A_61 = arith.constant 32 : index
      %swap3A_62 = tpu.vector_load %arg8[%swap3A_59, %swap3A_60, %swap3A_61] {strides = array<i32>} : memref<2x128x128xf32, #tpu.memory_space<vmem>>, vector<1x1x16xf32>,
      %swap3A_63 = vector.shape_cast %swap3A_62 : vector<1x1x16xf32> to vector<16xf32>
      %swap3A_64 = vector.shape_cast %broadcast_in_dim3A_57 : vector<16xf32> to vector<1x1x16xf32>
      tpu.vector_store %arg8[%swap3A_59, %swap3A_60, %swap3A_61], %swap3A_64 {strides = array<i32>} : memref<2x128x128xf32, #tpu.memory_space<vmem>>, vector<1x1x16xf32>,
      %broadcast_in_dim3A_65 = arith.constant 0.000000e+00 : f32
      %broadcast_in_dim3A_66 = vector.broadcast %broadcast_in_dim3A_65 : f32 to vector<16xf32>
      %swap3A_67 = arith.constant 0 : i32
      %swap3A_68 = arith.index_cast %swap3A_67 : i32 to index
      %swap3A_69 = arith.index_cast %scan3A_39 : i32 to index
      %swap3A_70 = arith.constant 48 : index
      %swap3A_71 = tpu.vector_load %arg8[%swap3A_68, %swap3A_69, %swap3A_70] {strides = array<i32>} : memref<2x128x128xf32, #tpu.memory_space<vmem>>, vector<1x1x16xf32>,
      %swap3A_72 = vector.shape_cast %swap3A_71 : vector<1x1x16xf32> to vector<16xf32>
      %swap3A_73 = vector.shape_cast %broadcast_in_dim3A_66 : vector<16xf32> to vector<1x1x16xf32>
      tpu.vector_store %arg8[%swap3A_68, %swap3A_69, %swap3A_70], %swap3A_73 {strides = array<i32>} : memref<2x128x128xf32, #tpu.memory_space<vmem>>, vector<1x1x16xf32>,
      %broadcast_in_dim3A_74 = arith.constant 0.000000e+00 : f32
      %broadcast_in_dim3A_75 = vector.broadcast %broadcast_in_dim3A_74 : f32 to vector<16xf32>
      %swap3A_76 = arith.constant 0 : i32
      %swap3A_77 = arith.index_cast %swap3A_76 : i32 to index
      %swap3A_78 = arith.index_cast %scan3A_39 : i32 to index
      %swap3A_79 = arith.constant 64 : index
      %swap3A_80 = tpu.vector_load %arg8[%swap3A_77, %swap3A_78, %swap3A_79] {strides = array<i32>} : memref<2x128x128xf32, #tpu.memory_space<vmem>>, vector<1x1x16xf32>,
      %swap3A_81 = vector.shape_cast %swap3A_80 : vector<1x1x16xf32> to vector<16xf32>
      %swap3A_82 = vector.shape_cast %broadcast_in_dim3A_75 : vector<16xf32> to vector<1x1x16xf32>
      tpu.vector_store %arg8[%swap3A_77, %swap3A_78, %swap3A_79], %swap3A_82 {strides = array<i32>} : memref<2x128x128xf32, #tpu.memory_space<vmem>>, vector<1x1x16xf32>,
      %broadcast_in_dim3A_83 = arith.constant 0.000000e+00 : f32
      %broadcast_in_dim3A_84 = vector.broadcast %broadcast_in_dim3A_83 : f32 to vector<16xf32>
      %swap3A_85 = arith.constant 0 : i32
      %swap3A_86 = arith.index_cast %swap3A_85 : i32 to index
      %swap3A_87 = arith.index_cast %scan3A_39 : i32 to index
      %swap3A_88 = arith.constant 80 : index
      %swap3A_89 = tpu.vector_load %arg8[%swap3A_86, %swap3A_87, %swap3A_88] {strides = array<i32>} : memref<2x128x128xf32, #tpu.memory_space<vmem>>, vector<1x1x16xf32>,
      %swap3A_90 = vector.shape_cast %swap3A_89 : vector<1x1x16xf32> to vector<16xf32>
      %swap3A_91 = vector.shape_cast %broadcast_in_dim3A_84 : vector<16xf32> to vector<1x1x16xf32>
      tpu.vector_store %arg8[%swap3A_86, %swap3A_87, %swap3A_88], %swap3A_91 {strides = array<i32>} : memref<2x128x128xf32, #tpu.memory_space<vmem>>, vector<1x1x16xf32>,
      %broadcast_in_dim3A_92 = arith.constant 0.000000e+00 : f32
      %broadcast_in_dim3A_93 = vector.broadcast %broadcast_in_dim3A_92 : f32 to vector<16xf32>
      %swap3A_94 = arith.constant 0 : i32
      %swap3A_95 = arith.index_cast %swap3A_94 : i32 to index
      %swap3A_96 = arith.index_cast %scan3A_39 : i32 to index
      %swap3A_97 = arith.constant 96 : index
      %swap3A_98 = tpu.vector_load %arg8[%swap3A_95, %swap3A_96, %swap3A_97] {strides = array<i32>} : memref<2x128x128xf32, #tpu.memory_space<vmem>>, vector<1x1x16xf32>,
      %swap3A_99 = vector.shape_cast %swap3A_98 : vector<1x1x16xf32> to vector<16xf32>
      %swap3A_100 = vector.shape_cast %broadcast_in_dim3A_93 : vector<16xf32> to vector<1x1x16xf32>
      tpu.vector_store %arg8[%swap3A_95, %swap3A_96, %swap3A_97], %swap3A_100 {strides = array<i32>} : memref<2x128x128xf32, #tpu.memory_space<vmem>>, vector<1x1x16xf32>,
      %broadcast_in_dim3A_101 = arith.constant 0.000000e+00 : f32
      %broadcast_in_dim3A_102 = vector.broadcast %broadcast_in_dim3A_101 : f32 to vector<16xf32>
      %swap3A_103 = arith.constant 0 : i32
      %swap3A_104 = arith.index_cast %swap3A_103 : i32 to index
      %swap3A_105 = arith.index_cast %scan3A_39 : i32 to index
      %swap3A_106 = arith.constant 112 : index
      %swap3A_107 = tpu.vector_load %arg8[%swap3A_104, %swap3A_105, %swap3A_106] {strides = array<i32>} : memref<2x128x128xf32, #tpu.memory_space<vmem>>, vector<1x1x16xf32>,
      %swap3A_108 = vector.shape_cast %swap3A_107 : vector<1x1x16xf32> to vector<16xf32>
      %swap3A_109 = vector.shape_cast %broadcast_in_dim3A_102 : vector<16xf32> to vector<1x1x16xf32>
      tpu.vector_store %arg8[%swap3A_104, %swap3A_105, %swap3A_106], %swap3A_109 {strides = array<i32>} : memref<2x128x128xf32, #tpu.memory_space<vmem>>, vector<1x1x16xf32>,
    }
    %scan3A_4 = arith.constant 128 : i32
    %mul3A_5 = arith.constant 640 : i32
    %mul3A_6 = arith.muli %arg1, %mul3A_5 : i32
    %add3A_7 = arith.constant 0 : i32
    %add3A_8 = arith.addi %mul3A_6, %add3A_7 : i32
    %run_scoped3A = arith.constant 0 : i32
    "tpu.region"() ({
      %run_scoped3A_39 = tpu.sem_alloc : memref<!tpu.dma_semaphore, #tpu.memory_space<semaphore_mem>>
      %dma_start3A = arith.constant 0 : i32
      %dma_start3A_40 = arith.constant 0 : i32
      %dma_start3A_41 = tpu.memref_slice %arg8[%run_scoped3A, %dma_start3A, %dma_start3A_40] : memref<2x128x128xf32, #tpu.memory_space<vmem>> -> memref<1x128x128xf32, #tpu.memory_space<vmem>>
      %dma_start3A_42 = tpu.memref_squeeze %dma_start3A_41 : memref<1x128x128xf32, #tpu.memory_space<vmem>> -> memref<128x128xf32, #tpu.memory_space<vmem>>
      %dma_start3A_43 = arith.constant 0 : i32
      %dma_start3A_44 = tpu.memref_slice %arg9[%add3A_8, %dma_start3A_43] : memref<10240x128xf32, #tpu.memory_space<vmem_shared>> -> memref<128x128xf32, #tpu.memory_space<vmem_shared>>
      %dma_start3A_45 = arith.constant 0 : i32
      %dma_start3A_46 = tpu.memref_slice %arg9[%add3A_8, %dma_start3A_45] : memref<10240x128xf32, #tpu.memory_space<vmem_shared>> -> memref<128x128xf32, #tpu.memory_space<vmem_shared>>
      %dma_start3A_47 = arith.constant 0 : i32
      %dma_start3A_48 = arith.constant 0 : i32
      %dma_start3A_49 = tpu.memref_slice %arg8[%run_scoped3A, %dma_start3A_47, %dma_start3A_48] : memref<2x128x128xf32, #tpu.memory_space<vmem>> -> memref<1x128x128xf32, #tpu.memory_space<vmem>>
      %dma_start3A_50 = tpu.memref_squeeze %dma_start3A_49 : memref<1x128x128xf32, #tpu.memory_space<vmem>> -> memref<128x128xf32, #tpu.memory_space<vmem>>
      tpu.enqueue_dma source(%dma_start3A_50 : memref<128x128xf32, #tpu.memory_space<vmem>>) target(%dma_start3A_46 : memref<128x128xf32, #tpu.memory_space<vmem_shared>>) target_semaphore(%run_scoped3A_39 : memref<!tpu.dma_semaphore, #tpu.memory_space<semaphore_mem>>)
      %dma_wait3A = arith.constant 0 : i32
      %dma_wait3A_51 = arith.constant 0 : i32
      %dma_wait3A_52 = tpu.memref_slice %arg8[%run_scoped3A, %dma_wait3A, %dma_wait3A_51] : memref<2x128x128xf32, #tpu.memory_space<vmem>> -> memref<1x128x128xf32, #tpu.memory_space<vmem>>
      %dma_wait3A_53 = tpu.memref_squeeze %dma_wait3A_52 : memref<1x128x128xf32, #tpu.memory_space<vmem>> -> memref<128x128xf32, #tpu.memory_space<vmem>>
      %dma_wait3A_54 = arith.constant 0 : i32
      %dma_wait3A_55 = tpu.memref_slice %arg9[%add3A_8, %dma_wait3A_54] : memref<10240x128xf32, #tpu.memory_space<vmem_shared>> -> memref<128x128xf32, #tpu.memory_space<vmem_shared>>
      %dma_wait3A_56 = arith.constant 0 : i32
      %dma_wait3A_57 = tpu.memref_slice %arg9[%add3A_8, %dma_wait3A_56] : memref<10240x128xf32, #tpu.memory_space<vmem_shared>> -> memref<128x128xf32, #tpu.memory_space<vmem_shared>>
      %dma_wait3A_58 = arith.constant 0 : i32
      %dma_wait3A_59 = arith.constant 0 : i32
      %dma_wait3A_60 = tpu.memref_slice %arg8[%run_scoped3A, %dma_wait3A_58, %dma_wait3A_59] : memref<2x128x128xf32, #tpu.memory_space<vmem>> -> memref<1x128x128xf32, #tpu.memory_space<vmem>>
      %dma_wait3A_61 = tpu.memref_squeeze %dma_wait3A_60 : memref<1x128x128xf32, #tpu.memory_space<vmem>> -> memref<128x128xf32, #tpu.memory_space<vmem>>
      tpu.wait_dma2 semaphore(%run_scoped3A_39 : memref<!tpu.dma_semaphore, #tpu.memory_space<semaphore_mem>>) src(%dma_wait3A_61 : memref<128x128xf32, #tpu.memory_space<vmem>>) dst(%dma_wait3A_57 : memref<128x128xf32, #tpu.memory_space<vmem_shared>>)
      tpu.yield
    }) : () -> ()
    %mul3A_9 = arith.constant 640 : i32
    %mul3A_10 = arith.muli %arg1, %mul3A_9 : i32
    %add3A_11 = arith.constant 128 : i32
    %add3A_12 = arith.addi %mul3A_10, %add3A_11 : i32
    %run_scoped3A_13 = arith.constant 0 : i32
    "tpu.region"() ({
      %run_scoped3A_39 = tpu.sem_alloc : memref<!tpu.dma_semaphore, #tpu.memory_space<semaphore_mem>>
      %dma_start3A = arith.constant 0 : i32
      %dma_start3A_40 = arith.constant 0 : i32
      %dma_start3A_41 = tpu.memref_slice %arg8[%run_scoped3A_13, %dma_start3A, %dma_start3A_40] : memref<2x128x128xf32, #tpu.memory_space<vmem>> -> memref<1x128x128xf32, #tpu.memory_space<vmem>>
      %dma_start3A_42 = tpu.memref_squeeze %dma_start3A_41 : memref<1x128x128xf32, #tpu.memory_space<vmem>> -> memref<128x128xf32, #tpu.memory_space<vmem>>
      %dma_start3A_43 = arith.constant 0 : i32
      %dma_start3A_44 = tpu.memref_slice %arg9[%add3A_12, %dma_start3A_43] : memref<10240x128xf32, #tpu.memory_space<vmem_shared>> -> memref<128x128xf32, #tpu.memory_space<vmem_shared>>
      %dma_start3A_45 = arith.constant 0 : i32
      %dma_start3A_46 = tpu.memref_slice %arg9[%add3A_12, %dma_start3A_45] : memref<10240x128xf32, #tpu.memory_space<vmem_shared>> -> memref<128x128xf32, #tpu.memory_space<vmem_shared>>
      %dma_start3A_47 = arith.constant 0 : i32
      %dma_start3A_48 = arith.constant 0 : i32
      %dma_start3A_49 = tpu.memref_slice %arg8[%run_scoped3A_13, %dma_start3A_47, %dma_start3A_48] : memref<2x128x128xf32, #tpu.memory_space<vmem>> -> memref<1x128x128xf32, #tpu.memory_space<vmem>>
      %dma_start3A_50 = tpu.memref_squeeze %dma_start3A_49 : memref<1x128x128xf32, #tpu.memory_space<vmem>> -> memref<128x128xf32, #tpu.memory_space<vmem>>
      tpu.enqueue_dma source(%dma_start3A_50 : memref<128x128xf32, #tpu.memory_space<vmem>>) target(%dma_start3A_46 : memref<128x128xf32, #tpu.memory_space<vmem_shared>>) target_semaphore(%run_scoped3A_39 : memref<!tpu.dma_semaphore, #tpu.memory_space<semaphore_mem>>)
      %dma_wait3A = arith.constant 0 : i32
      %dma_wait3A_51 = arith.constant 0 : i32
      %dma_wait3A_52 = tpu.memref_slice %arg8[%run_scoped3A_13, %dma_wait3A, %dma_wait3A_51] : memref<2x128x128xf32, #tpu.memory_space<vmem>> -> memref<1x128x128xf32, #tpu.memory_space<vmem>>
      %dma_wait3A_53 = tpu.memref_squeeze %dma_wait3A_52 : memref<1x128x128xf32, #tpu.memory_space<vmem>> -> memref<128x128xf32, #tpu.memory_space<vmem>>
      %dma_wait3A_54 = arith.constant 0 : i32
      %dma_wait3A_55 = tpu.memref_slice %arg9[%add3A_12, %dma_wait3A_54] : memref<10240x128xf32, #tpu.memory_space<vmem_shared>> -> memref<128x128xf32, #tpu.memory_space<vmem_shared>>
      %dma_wait3A_56 = arith.constant 0 : i32
      %dma_wait3A_57 = tpu.memref_slice %arg9[%add3A_12, %dma_wait3A_56] : memref<10240x128xf32, #tpu.memory_space<vmem_shared>> -> memref<128x128xf32, #tpu.memory_space<vmem_shared>>
      %dma_wait3A_58 = arith.constant 0 : i32
      %dma_wait3A_59 = arith.constant 0 : i32
      %dma_wait3A_60 = tpu.memref_slice %arg8[%run_scoped3A_13, %dma_wait3A_58, %dma_wait3A_59] : memref<2x128x128xf32, #tpu.memory_space<vmem>> -> memref<1x128x128xf32, #tpu.memory_space<vmem>>
      %dma_wait3A_61 = tpu.memref_squeeze %dma_wait3A_60 : memref<1x128x128xf32, #tpu.memory_space<vmem>> -> memref<128x128xf32, #tpu.memory_space<vmem>>
      tpu.wait_dma2 semaphore(%run_scoped3A_39 : memref<!tpu.dma_semaphore, #tpu.memory_space<semaphore_mem>>) src(%dma_wait3A_61 : memref<128x128xf32, #tpu.memory_space<vmem>>) dst(%dma_wait3A_57 : memref<128x128xf32, #tpu.memory_space<vmem_shared>>)
      tpu.yield
    }) : () -> ()
    %mul3A_14 = arith.constant 640 : i32
    %mul3A_15 = arith.muli %arg1, %mul3A_14 : i32
    %add3A_16 = arith.constant 256 : i32
    %add3A_17 = arith.addi %mul3A_15, %add3A_16 : i32
    %run_scoped3A_18 = arith.constant 0 : i32
    "tpu.region"() ({
      %run_scoped3A_39 = tpu.sem_alloc : memref<!tpu.dma_semaphore, #tpu.memory_space<semaphore_mem>>
      %dma_start3A = arith.constant 0 : i32
      %dma_start3A_40 = arith.constant 0 : i32
      %dma_start3A_41 = tpu.memref_slice %arg8[%run_scoped3A_18, %dma_start3A, %dma_start3A_40] : memref<2x128x128xf32, #tpu.memory_space<vmem>> -> memref<1x128x128xf32, #tpu.memory_space<vmem>>
      %dma_start3A_42 = tpu.memref_squeeze %dma_start3A_41 : memref<1x128x128xf32, #tpu.memory_space<vmem>> -> memref<128x128xf32, #tpu.memory_space<vmem>>
      %dma_start3A_43 = arith.constant 0 : i32
      %dma_start3A_44 = tpu.memref_slice %arg9[%add3A_17, %dma_start3A_43] : memref<10240x128xf32, #tpu.memory_space<vmem_shared>> -> memref<128x128xf32, #tpu.memory_space<vmem_shared>>
      %dma_start3A_45 = arith.constant 0 : i32
      %dma_start3A_46 = tpu.memref_slice %arg9[%add3A_17, %dma_start3A_45] : memref<10240x128xf32, #tpu.memory_space<vmem_shared>> -> memref<128x128xf32, #tpu.memory_space<vmem_shared>>
      %dma_start3A_47 = arith.constant 0 : i32
      %dma_start3A_48 = arith.constant 0 : i32
      %dma_start3A_49 = tpu.memref_slice %arg8[%run_scoped3A_18, %dma_start3A_47, %dma_start3A_48] : memref<2x128x128xf32, #tpu.memory_space<vmem>> -> memref<1x128x128xf32, #tpu.memory_space<vmem>>
      %dma_start3A_50 = tpu.memref_squeeze %dma_start3A_49 : memref<1x128x128xf32, #tpu.memory_space<vmem>> -> memref<128x128xf32, #tpu.memory_space<vmem>>
      tpu.enqueue_dma source(%dma_start3A_50 : memref<128x128xf32, #tpu.memory_space<vmem>>) target(%dma_start3A_46 : memref<128x128xf32, #tpu.memory_space<vmem_shared>>) target_semaphore(%run_scoped3A_39 : memref<!tpu.dma_semaphore, #tpu.memory_space<semaphore_mem>>)
      %dma_wait3A = arith.constant 0 : i32
      %dma_wait3A_51 = arith.constant 0 : i32
      %dma_wait3A_52 = tpu.memref_slice %arg8[%run_scoped3A_18, %dma_wait3A, %dma_wait3A_51] : memref<2x128x128xf32, #tpu.memory_space<vmem>> -> memref<1x128x128xf32, #tpu.memory_space<vmem>>
      %dma_wait3A_53 = tpu.memref_squeeze %dma_wait3A_52 : memref<1x128x128xf32, #tpu.memory_space<vmem>> -> memref<128x128xf32, #tpu.memory_space<vmem>>
      %dma_wait3A_54 = arith.constant 0 : i32
      %dma_wait3A_55 = tpu.memref_slice %arg9[%add3A_17, %dma_wait3A_54] : memref<10240x128xf32, #tpu.memory_space<vmem_shared>> -> memref<128x128xf32, #tpu.memory_space<vmem_shared>>
      %dma_wait3A_56 = arith.constant 0 : i32
      %dma_wait3A_57 = tpu.memref_slice %arg9[%add3A_17, %dma_wait3A_56] : memref<10240x128xf32, #tpu.memory_space<vmem_shared>> -> memref<128x128xf32, #tpu.memory_space<vmem_shared>>
      %dma_wait3A_58 = arith.constant 0 : i32
      %dma_wait3A_59 = arith.constant 0 : i32
      %dma_wait3A_60 = tpu.memref_slice %arg8[%run_scoped3A_18, %dma_wait3A_58, %dma_wait3A_59] : memref<2x128x128xf32, #tpu.memory_space<vmem>> -> memref<1x128x128xf32, #tpu.memory_space<vmem>>
      %dma_wait3A_61 = tpu.memref_squeeze %dma_wait3A_60 : memref<1x128x128xf32, #tpu.memory_space<vmem>> -> memref<128x128xf32, #tpu.memory_space<vmem>>
      tpu.wait_dma2 semaphore(%run_scoped3A_39 : memref<!tpu.dma_semaphore, #tpu.memory_space<semaphore_mem>>) src(%dma_wait3A_61 : memref<128x128xf32, #tpu.memory_space<vmem>>) dst(%dma_wait3A_57 : memref<128x128xf32, #tpu.memory_space<vmem_shared>>)
      tpu.yield
    }) : () -> ()
    %mul3A_19 = arith.constant 640 : i32
    %mul3A_20 = arith.muli %arg1, %mul3A_19 : i32
    %add3A_21 = arith.constant 384 : i32
    %add3A_22 = arith.addi %mul3A_20, %add3A_21 : i32
    %run_scoped3A_23 = arith.constant 0 : i32
    "tpu.region"() ({
      %run_scoped3A_39 = tpu.sem_alloc : memref<!tpu.dma_semaphore, #tpu.memory_space<semaphore_mem>>
      %dma_start3A = arith.constant 0 : i32
      %dma_start3A_40 = arith.constant 0 : i32
      %dma_start3A_41 = tpu.memref_slice %arg8[%run_scoped3A_23, %dma_start3A, %dma_start3A_40] : memref<2x128x128xf32, #tpu.memory_space<vmem>> -> memref<1x128x128xf32, #tpu.memory_space<vmem>>
      %dma_start3A_42 = tpu.memref_squeeze %dma_start3A_41 : memref<1x128x128xf32, #tpu.memory_space<vmem>> -> memref<128x128xf32, #tpu.memory_space<vmem>>
      %dma_start3A_43 = arith.constant 0 : i32
      %dma_start3A_44 = tpu.memref_slice %arg9[%add3A_22, %dma_start3A_43] : memref<10240x128xf32, #tpu.memory_space<vmem_shared>> -> memref<128x128xf32, #tpu.memory_space<vmem_shared>>
      %dma_start3A_45 = arith.constant 0 : i32
      %dma_start3A_46 = tpu.memref_slice %arg9[%add3A_22, %dma_start3A_45] : memref<10240x128xf32, #tpu.memory_space<vmem_shared>> -> memref<128x128xf32, #tpu.memory_space<vmem_shared>>
      %dma_start3A_47 = arith.constant 0 : i32
      %dma_start3A_48 = arith.constant 0 : i32
      %dma_start3A_49 = tpu.memref_slice %arg8[%run_scoped3A_23, %dma_start3A_47, %dma_start3A_48] : memref<2x128x128xf32, #tpu.memory_space<vmem>> -> memref<1x128x128xf32, #tpu.memory_space<vmem>>
      %dma_start3A_50 = tpu.memref_squeeze %dma_start3A_49 : memref<1x128x128xf32, #tpu.memory_space<vmem>> -> memref<128x128xf32, #tpu.memory_space<vmem>>
      tpu.enqueue_dma source(%dma_start3A_50 : memref<128x128xf32, #tpu.memory_space<vmem>>) target(%dma_start3A_46 : memref<128x128xf32, #tpu.memory_space<vmem_shared>>) target_semaphore(%run_scoped3A_39 : memref<!tpu.dma_semaphore, #tpu.memory_space<semaphore_mem>>)
      %dma_wait3A = arith.constant 0 : i32
      %dma_wait3A_51 = arith.constant 0 : i32
      %dma_wait3A_52 = tpu.memref_slice %arg8[%run_scoped3A_23, %dma_wait3A, %dma_wait3A_51] : memref<2x128x128xf32, #tpu.memory_space<vmem>> -> memref<1x128x128xf32, #tpu.memory_space<vmem>>
      %dma_wait3A_53 = tpu.memref_squeeze %dma_wait3A_52 : memref<1x128x128xf32, #tpu.memory_space<vmem>> -> memref<128x128xf32, #tpu.memory_space<vmem>>
      %dma_wait3A_54 = arith.constant 0 : i32
      %dma_wait3A_55 = tpu.memref_slice %arg9[%add3A_22, %dma_wait3A_54] : memref<10240x128xf32, #tpu.memory_space<vmem_shared>> -> memref<128x128xf32, #tpu.memory_space<vmem_shared>>
      %dma_wait3A_56 = arith.constant 0 : i32
      %dma_wait3A_57 = tpu.memref_slice %arg9[%add3A_22, %dma_wait3A_56] : memref<10240x128xf32, #tpu.memory_space<vmem_shared>> -> memref<128x128xf32, #tpu.memory_space<vmem_shared>>
      %dma_wait3A_58 = arith.constant 0 : i32
      %dma_wait3A_59 = arith.constant 0 : i32
      %dma_wait3A_60 = tpu.memref_slice %arg8[%run_scoped3A_23, %dma_wait3A_58, %dma_wait3A_59] : memref<2x128x128xf32, #tpu.memory_space<vmem>> -> memref<1x128x128xf32, #tpu.memory_space<vmem>>
      %dma_wait3A_61 = tpu.memref_squeeze %dma_wait3A_60 : memref<1x128x128xf32, #tpu.memory_space<vmem>> -> memref<128x128xf32, #tpu.memory_space<vmem>>
      tpu.wait_dma2 semaphore(%run_scoped3A_39 : memref<!tpu.dma_semaphore, #tpu.memory_space<semaphore_mem>>) src(%dma_wait3A_61 : memref<128x128xf32, #tpu.memory_space<vmem>>) dst(%dma_wait3A_57 : memref<128x128xf32, #tpu.memory_space<vmem_shared>>)
      tpu.yield
    }) : () -> ()
    %mul3A_24 = arith.constant 640 : i32
    %mul3A_25 = arith.muli %arg1, %mul3A_24 : i32
    %add3A_26 = arith.constant 512 : i32
    %add3A_27 = arith.addi %mul3A_25, %add3A_26 : i32
    %run_scoped3A_28 = arith.constant 0 : i32
    "tpu.region"() ({
      %run_scoped3A_39 = tpu.sem_alloc : memref<!tpu.dma_semaphore, #tpu.memory_space<semaphore_mem>>
      %dma_start3A = arith.constant 0 : i32
      %dma_start3A_40 = arith.constant 0 : i32
      %dma_start3A_41 = tpu.memref_slice %arg8[%run_scoped3A_28, %dma_start3A, %dma_start3A_40] : memref<2x128x128xf32, #tpu.memory_space<vmem>> -> memref<1x128x128xf32, #tpu.memory_space<vmem>>
      %dma_start3A_42 = tpu.memref_squeeze %dma_start3A_41 : memref<1x128x128xf32, #tpu.memory_space<vmem>> -> memref<128x128xf32, #tpu.memory_space<vmem>>
      %dma_start3A_43 = arith.constant 0 : i32
      %dma_start3A_44 = tpu.memref_slice %arg9[%add3A_27, %dma_start3A_43] : memref<10240x128xf32, #tpu.memory_space<vmem_shared>> -> memref<128x128xf32, #tpu.memory_space<vmem_shared>>
      %dma_start3A_45 = arith.constant 0 : i32
      %dma_start3A_46 = tpu.memref_slice %arg9[%add3A_27, %dma_start3A_45] : memref<10240x128xf32, #tpu.memory_space<vmem_shared>> -> memref<128x128xf32, #tpu.memory_space<vmem_shared>>
      %dma_start3A_47 = arith.constant 0 : i32
      %dma_start3A_48 = arith.constant 0 : i32
      %dma_start3A_49 = tpu.memref_slice %arg8[%run_scoped3A_28, %dma_start3A_47, %dma_start3A_48] : memref<2x128x128xf32, #tpu.memory_space<vmem>> -> memref<1x128x128xf32, #tpu.memory_space<vmem>>
      %dma_start3A_50 = tpu.memref_squeeze %dma_start3A_49 : memref<1x128x128xf32, #tpu.memory_space<vmem>> -> memref<128x128xf32, #tpu.memory_space<vmem>>
      tpu.enqueue_dma source(%dma_start3A_50 : memref<128x128xf32, #tpu.memory_space<vmem>>) target(%dma_start3A_46 : memref<128x128xf32, #tpu.memory_space<vmem_shared>>) target_semaphore(%run_scoped3A_39 : memref<!tpu.dma_semaphore, #tpu.memory_space<semaphore_mem>>)
      %dma_wait3A = arith.constant 0 : i32
      %dma_wait3A_51 = arith.constant 0 : i32
      %dma_wait3A_52 = tpu.memref_slice %arg8[%run_scoped3A_28, %dma_wait3A, %dma_wait3A_51] : memref<2x128x128xf32, #tpu.memory_space<vmem>> -> memref<1x128x128xf32, #tpu.memory_space<vmem>>
      %dma_wait3A_53 = tpu.memref_squeeze %dma_wait3A_52 : memref<1x128x128xf32, #tpu.memory_space<vmem>> -> memref<128x128xf32, #tpu.memory_space<vmem>>
      %dma_wait3A_54 = arith.constant 0 : i32
      %dma_wait3A_55 = tpu.memref_slice %arg9[%add3A_27, %dma_wait3A_54] : memref<10240x128xf32, #tpu.memory_space<vmem_shared>> -> memref<128x128xf32, #tpu.memory_space<vmem_shared>>
      %dma_wait3A_56 = arith.constant 0 : i32
      %dma_wait3A_57 = tpu.memref_slice %arg9[%add3A_27, %dma_wait3A_56] : memref<10240x128xf32, #tpu.memory_space<vmem_shared>> -> memref<128x128xf32, #tpu.memory_space<vmem_shared>>
      %dma_wait3A_58 = arith.constant 0 : i32
      %dma_wait3A_59 = arith.constant 0 : i32
      %dma_wait3A_60 = tpu.memref_slice %arg8[%run_scoped3A_28, %dma_wait3A_58, %dma_wait3A_59] : memref<2x128x128xf32, #tpu.memory_space<vmem>> -> memref<1x128x128xf32, #tpu.memory_space<vmem>>
      %dma_wait3A_61 = tpu.memref_squeeze %dma_wait3A_60 : memref<1x128x128xf32, #tpu.memory_space<vmem>> -> memref<128x128xf32, #tpu.memory_space<vmem>>
      tpu.wait_dma2 semaphore(%run_scoped3A_39 : memref<!tpu.dma_semaphore, #tpu.memory_space<semaphore_mem>>) src(%dma_wait3A_61 : memref<128x128xf32, #tpu.memory_space<vmem>>) dst(%dma_wait3A_57 : memref<128x128xf32, #tpu.memory_space<vmem_shared>>)
      tpu.yield
    }) : () -> ()
    %barrier3A = arith.constant 0 : index
    tpu.barrier barrier_id(%barrier3A)
    %scan3A_29 = arith.constant 0 : i32
    %scan3A_30 = arith.constant 2 : i32
    %scan3A_31 = arith.addi %scan3A_29, %scan3A_30 : i32
    %scan3A_32 = arith.constant 1 : i32
    scf.for %scan3A_39 = %scan3A_29 to %scan3A_31 step %scan3A_32  : i32 {
      %mul3A_40 = arith.constant 40 : i32
      %mul3A_41 = arith.muli %scan3A_39, %mul3A_40 : i32
      "tpu.region"() ({
        %run_scoped3A_49 = tpu.sem_alloc : memref<!tpu.dma_semaphore, #tpu.memory_space<semaphore_mem>>
        %dma_start3A = arith.constant 0 : i32
        %dma_start3A_50 = tpu.memref_slice %arg3[%add3A, %mul3A_41, %dma_start3A] : memref<32x80x128xi32, #tpu.memory_space<hbm>> -> memref<1x40x128xi32, #tpu.memory_space<hbm>>
        %dma_start3A_51 = tpu.memref_squeeze %dma_start3A_50 : memref<1x40x128xi32, #tpu.memory_space<hbm>> -> memref<40x128xi32, #tpu.memory_space<hbm>>
        %dma_start3A_52 = arith.constant 0 : i32
        %dma_start3A_53 = tpu.memref_slice %arg3[%add3A, %mul3A_41, %dma_start3A_52] : memref<32x80x128xi32, #tpu.memory_space<hbm>> -> memref<1x40x128xi32, #tpu.memory_space<hbm>>
        %dma_start3A_54 = tpu.memref_squeeze %dma_start3A_53 : memref<1x40x128xi32, #tpu.memory_space<hbm>> -> memref<40x128xi32, #tpu.memory_space<hbm>>
        tpu.enqueue_dma source(%dma_start3A_54 : memref<40x128xi32, #tpu.memory_space<hbm>>) target(%arg6 : memref<40x128xi32, #tpu.memory_space<vmem>>) target_semaphore(%run_scoped3A_49 : memref<!tpu.dma_semaphore, #tpu.memory_space<semaphore_mem>>)
        %dma_wait3A = arith.constant 0 : i32
        %dma_wait3A_55 = tpu.memref_slice %arg3[%add3A, %mul3A_41, %dma_wait3A] : memref<32x80x128xi32, #tpu.memory_space<hbm>> -> memref<1x40x128xi32, #tpu.memory_space<hbm>>
        %dma_wait3A_56 = tpu.memref_squeeze %dma_wait3A_55 : memref<1x40x128xi32, #tpu.memory_space<hbm>> -> memref<40x128xi32, #tpu.memory_space<hbm>>
        %dma_wait3A_57 = arith.constant 0 : i32
        %dma_wait3A_58 = tpu.memref_slice %arg3[%add3A, %mul3A_41, %dma_wait3A_57] : memref<32x80x128xi32, #tpu.memory_space<hbm>> -> memref<1x40x128xi32, #tpu.memory_space<hbm>>
        %dma_wait3A_59 = tpu.memref_squeeze %dma_wait3A_58 : memref<1x40x128xi32, #tpu.memory_space<hbm>> -> memref<40x128xi32, #tpu.memory_space<hbm>>
        tpu.wait_dma2 semaphore(%run_scoped3A_49 : memref<!tpu.dma_semaphore, #tpu.memory_space<semaphore_mem>>) src(%dma_wait3A_59 : memref<40x128xi32, #tpu.memory_space<hbm>>) dst(%arg6 : memref<40x128xi32, #tpu.memory_space<vmem>>)
        tpu.yield
      }) : () -> ()
      %mul3A_42 = arith.constant 40 : i32
      %mul3A_43 = arith.muli %scan3A_39, %mul3A_42 : i32
      "tpu.region"() ({
        %run_scoped3A_49 = tpu.sem_alloc : memref<!tpu.dma_semaphore, #tpu.memory_space<semaphore_mem>>
        %dma_start3A = arith.constant 0 : i32
        %dma_start3A_50 = tpu.memref_slice %arg4[%add3A, %mul3A_43, %dma_start3A] : memref<32x80x128xi32, #tpu.memory_space<hbm>> -> memref<1x40x128xi32, #tpu.memory_space<hbm>>
        %dma_start3A_51 = tpu.memref_squeeze %dma_start3A_50 : memref<1x40x128xi32, #tpu.memory_space<hbm>> -> memref<40x128xi32, #tpu.memory_space<hbm>>
        %dma_start3A_52 = arith.constant 0 : i32
        %dma_start3A_53 = tpu.memref_slice %arg4[%add3A, %mul3A_43, %dma_start3A_52] : memref<32x80x128xi32, #tpu.memory_space<hbm>> -> memref<1x40x128xi32, #tpu.memory_space<hbm>>
        %dma_start3A_54 = tpu.memref_squeeze %dma_start3A_53 : memref<1x40x128xi32, #tpu.memory_space<hbm>> -> memref<40x128xi32, #tpu.memory_space<hbm>>
        tpu.enqueue_dma source(%dma_start3A_54 : memref<40x128xi32, #tpu.memory_space<hbm>>) target(%arg7 : memref<40x128xi32, #tpu.memory_space<vmem>>) target_semaphore(%run_scoped3A_49 : memref<!tpu.dma_semaphore, #tpu.memory_space<semaphore_mem>>)
        %dma_wait3A = arith.constant 0 : i32
        %dma_wait3A_55 = tpu.memref_slice %arg4[%add3A, %mul3A_43, %dma_wait3A] : memref<32x80x128xi32, #tpu.memory_space<hbm>> -> memref<1x40x128xi32, #tpu.memory_space<hbm>>
        %dma_wait3A_56 = tpu.memref_squeeze %dma_wait3A_55 : memref<1x40x128xi32, #tpu.memory_space<hbm>> -> memref<40x128xi32, #tpu.memory_space<hbm>>
        %dma_wait3A_57 = arith.constant 0 : i32
        %dma_wait3A_58 = tpu.memref_slice %arg4[%add3A, %mul3A_43, %dma_wait3A_57] : memref<32x80x128xi32, #tpu.memory_space<hbm>> -> memref<1x40x128xi32, #tpu.memory_space<hbm>>
        %dma_wait3A_59 = tpu.memref_squeeze %dma_wait3A_58 : memref<1x40x128xi32, #tpu.memory_space<hbm>> -> memref<40x128xi32, #tpu.memory_space<hbm>>
        tpu.wait_dma2 semaphore(%run_scoped3A_49 : memref<!tpu.dma_semaphore, #tpu.memory_space<semaphore_mem>>) src(%dma_wait3A_59 : memref<40x128xi32, #tpu.memory_space<hbm>>) dst(%arg7 : memref<40x128xi32, #tpu.memory_space<vmem>>)
        tpu.yield
      }) : () -> ()
      %scan3A_44 = arith.constant 0 : i32
      %scan3A_45 = arith.constant 20 : i32
      %scan3A_46 = arith.addi %scan3A_44, %scan3A_45 : i32
      %scan3A_47 = arith.constant 1 : i32
      scf.for %scan3A_49 = %scan3A_44 to %scan3A_46 step %scan3A_47  : i32 {
        %mul3A_50 = arith.constant 2 : i32
        %mul3A_51 = arith.muli %scan3A_49, %mul3A_50 : i32
        %add3A_52 = arith.constant 0 : i32
        %add3A_53 = arith.addi %mul3A_51, %add3A_52 : i32
        %dma_start3A = arith.constant 0 : i32
        %dma_start3A_54 = arith.constant 0 : i32
        %dma_start3A_55 = arith.constant 0 : i32
        %dma_start3A_56 = tpu.memref_slice %arg8[%dma_start3A, %dma_start3A_54, %dma_start3A_55] : memref<2x128x128xf32, #tpu.memory_space<vmem>> -> memref<1x128x128xf32, #tpu.memory_space<vmem>>
        %dma_start3A_57 = tpu.memref_squeeze %dma_start3A_56 : memref<1x128x128xf32, #tpu.memory_space<vmem>> -> memref<128x128xf32, #tpu.memory_space<vmem>>
        %dma_start3A_58 = arith.constant 0 : i32
        %dma_start3A_59 = tpu.memref_slice %arg6[%add3A_53, %dma_start3A_58] : memref<40x128xi32, #tpu.memory_space<vmem>> -> memref<1x128xi32, #tpu.memory_space<vmem>>
        %dma_start3A_60 = tpu.memref_squeeze %dma_start3A_59 : memref<1x128xi32, #tpu.memory_space<vmem>> -> memref<128xi32, #tpu.memory_space<vmem>>
        %dma_start3A_61 = arith.constant 0 : i32
        %dma_start3A_62 = arith.constant 0 : i32
        %dma_start3A_63 = tpu.memref_slice %arg2[%dma_start3A_61, %dma_start3A_62] : memref<10240x128xf32, #tpu.memory_space<hbm>> -> memref<10240x128xf32, #tpu.memory_space<hbm>>
        tpu.enqueue_indirect_dma source(%dma_start3A_63 : memref<10240x128xf32, #tpu.memory_space<hbm>>) target(%dma_start3A_57 : memref<128x128xf32, #tpu.memory_space<vmem>>) offsets(%dma_start3A_60 : memref<128xi32, #tpu.memory_space<vmem>>) semaphore(%arg10 : memref<!tpu.dma_semaphore, #tpu.memory_space<semaphore_mem>>)
        %add3A_64 = arith.constant 1 : i32
        %add3A_65 = arith.addi %mul3A_51, %add3A_64 : i32
        %dma_start3A_66 = arith.constant 1 : i32
        %dma_start3A_67 = arith.constant 0 : i32
        %dma_start3A_68 = arith.constant 0 : i32
        %dma_start3A_69 = tpu.memref_slice %arg8[%dma_start3A_66, %dma_start3A_67, %dma_start3A_68] : memref<2x128x128xf32, #tpu.memory_space<vmem>> -> memref<1x128x128xf32, #tpu.memory_space<vmem>>
        %dma_start3A_70 = tpu.memref_squeeze %dma_start3A_69 : memref<1x128x128xf32, #tpu.memory_space<vmem>> -> memref<128x128xf32, #tpu.memory_space<vmem>>
        %dma_start3A_71 = arith.constant 0 : i32
        %dma_start3A_72 = tpu.memref_slice %arg6[%add3A_65, %dma_start3A_71] : memref<40x128xi32, #tpu.memory_space<vmem>> -> memref<1x128xi32, #tpu.memory_space<vmem>>
        %dma_start3A_73 = tpu.memref_squeeze %dma_start3A_72 : memref<1x128xi32, #tpu.memory_space<vmem>> -> memref<128xi32, #tpu.memory_space<vmem>>
        %dma_start3A_74 = arith.constant 0 : i32
        %dma_start3A_75 = arith.constant 0 : i32
        %dma_start3A_76 = tpu.memref_slice %arg2[%dma_start3A_74, %dma_start3A_75] : memref<10240x128xf32, #tpu.memory_space<hbm>> -> memref<10240x128xf32, #tpu.memory_space<hbm>>
        tpu.enqueue_indirect_dma source(%dma_start3A_76 : memref<10240x128xf32, #tpu.memory_space<hbm>>) target(%dma_start3A_70 : memref<128x128xf32, #tpu.memory_space<vmem>>) offsets(%dma_start3A_73 : memref<128xi32, #tpu.memory_space<vmem>>) semaphore(%arg11 : memref<!tpu.dma_semaphore, #tpu.memory_space<semaphore_mem>>)
        %dma_wait3A = arith.constant 0 : i32
        %dma_wait3A_77 = arith.constant 0 : i32
        %dma_wait3A_78 = arith.constant 0 : i32
        %dma_wait3A_79 = tpu.memref_slice %arg8[%dma_wait3A, %dma_wait3A_77, %dma_wait3A_78] : memref<2x128x128xf32, #tpu.memory_space<vmem>> -> memref<1x128x128xf32, #tpu.memory_space<vmem>>
        %dma_wait3A_80 = tpu.memref_squeeze %dma_wait3A_79 : memref<1x128x128xf32, #tpu.memory_space<vmem>> -> memref<128x128xf32, #tpu.memory_space<vmem>>
        %dma_wait3A_81 = arith.constant 0 : i32
        %dma_wait3A_82 = tpu.memref_slice %arg6[%add3A_53, %dma_wait3A_81] : memref<40x128xi32, #tpu.memory_space<vmem>> -> memref<1x128xi32, #tpu.memory_space<vmem>>
        %dma_wait3A_83 = tpu.memref_squeeze %dma_wait3A_82 : memref<1x128xi32, #tpu.memory_space<vmem>> -> memref<128xi32, #tpu.memory_space<vmem>>
        %dma_wait3A_84 = arith.constant 0 : i32
        %dma_wait3A_85 = arith.constant 0 : i32
        %dma_wait3A_86 = tpu.memref_slice %arg2[%dma_wait3A_84, %dma_wait3A_85] : memref<10240x128xf32, #tpu.memory_space<hbm>> -> memref<10240x128xf32, #tpu.memory_space<hbm>>
        tpu.wait_indirect_dma semaphore(%arg10 : memref<!tpu.dma_semaphore, #tpu.memory_space<semaphore_mem>>) src(%dma_wait3A_86 : memref<10240x128xf32, #tpu.memory_space<hbm>>) dst(%dma_wait3A_80 : memref<128x128xf32, #tpu.memory_space<vmem>>)
        %add3A_87 = arith.constant 0 : i32
        %add3A_88 = arith.addi %mul3A_51, %add3A_87 : i32
        %run_scoped3A_89 = arith.constant 0 : i32
        "tpu.region"() ({
          %run_scoped3A_104 = tpu.sem_alloc : memref<!tpu.dma_semaphore, #tpu.memory_space<semaphore_mem>>
          %dma_start3A_105 = arith.constant 0 : i32
          %dma_start3A_106 = arith.constant 0 : i32
          %dma_start3A_107 = tpu.memref_slice %arg8[%run_scoped3A_89, %dma_start3A_105, %dma_start3A_106] : memref<2x128x128xf32, #tpu.memory_space<vmem>> -> memref<1x128x128xf32, #tpu.memory_space<vmem>>
          %dma_start3A_108 = tpu.memref_squeeze %dma_start3A_107 : memref<1x128x128xf32, #tpu.memory_space<vmem>> -> memref<128x128xf32, #tpu.memory_space<vmem>>
          %dma_start3A_109 = arith.constant 0 : i32
          %dma_start3A_110 = tpu.memref_slice %arg7[%add3A_88, %dma_start3A_109] : memref<40x128xi32, #tpu.memory_space<vmem>> -> memref<1x128xi32, #tpu.memory_space<vmem>>
          %dma_start3A_111 = tpu.memref_squeeze %dma_start3A_110 : memref<1x128xi32, #tpu.memory_space<vmem>> -> memref<128xi32, #tpu.memory_space<vmem>>
          %dma_start3A_112 = arith.constant 0 : i32
          %dma_start3A_113 = arith.constant 0 : i32
          %dma_start3A_114 = tpu.memref_slice %arg9[%dma_start3A_112, %dma_start3A_113] : memref<10240x128xf32, #tpu.memory_space<vmem_shared>> -> memref<10240x128xf32, #tpu.memory_space<vmem_shared>>
          tpu.enqueue_indirect_dma source(%dma_start3A_108 : memref<128x128xf32, #tpu.memory_space<vmem>>) target(%dma_start3A_114 : memref<10240x128xf32, #tpu.memory_space<vmem_shared>>) offsets(%dma_start3A_111 : memref<128xi32, #tpu.memory_space<vmem>>) semaphore(%run_scoped3A_104 : memref<!tpu.dma_semaphore, #tpu.memory_space<semaphore_mem>>) {add = true}
          %dma_wait3A_115 = arith.constant 0 : i32
          %dma_wait3A_116 = arith.constant 0 : i32
          %dma_wait3A_117 = tpu.memref_slice %arg8[%run_scoped3A_89, %dma_wait3A_115, %dma_wait3A_116] : memref<2x128x128xf32, #tpu.memory_space<vmem>> -> memref<1x128x128xf32, #tpu.memory_space<vmem>>
          %dma_wait3A_118 = tpu.memref_squeeze %dma_wait3A_117 : memref<1x128x128xf32, #tpu.memory_space<vmem>> -> memref<128x128xf32, #tpu.memory_space<vmem>>
          %dma_wait3A_119 = arith.constant 0 : i32
          %dma_wait3A_120 = tpu.memref_slice %arg7[%add3A_88, %dma_wait3A_119] : memref<40x128xi32, #tpu.memory_space<vmem>> -> memref<1x128xi32, #tpu.memory_space<vmem>>
          %dma_wait3A_121 = tpu.memref_squeeze %dma_wait3A_120 : memref<1x128xi32, #tpu.memory_space<vmem>> -> memref<128xi32, #tpu.memory_space<vmem>>
          %dma_wait3A_122 = arith.constant 0 : i32
          %dma_wait3A_123 = arith.constant 0 : i32
          %dma_wait3A_124 = tpu.memref_slice %arg9[%dma_wait3A_122, %dma_wait3A_123] : memref<10240x128xf32, #tpu.memory_space<vmem_shared>> -> memref<10240x128xf32, #tpu.memory_space<vmem_shared>>
          tpu.wait_indirect_dma semaphore(%run_scoped3A_104 : memref<!tpu.dma_semaphore, #tpu.memory_space<semaphore_mem>>) src(%dma_wait3A_118 : memref<128x128xf32, #tpu.memory_space<vmem>>) dst(%dma_wait3A_124 : memref<10240x128xf32, #tpu.memory_space<vmem_shared>>)
          tpu.yield
        }) : () -> ()
        %dma_wait3A_90 = arith.constant 1 : i32
        %dma_wait3A_91 = arith.constant 0 : i32
        %dma_wait3A_92 = arith.constant 0 : i32
        %dma_wait3A_93 = tpu.memref_slice %arg8[%dma_wait3A_90, %dma_wait3A_91, %dma_wait3A_92] : memref<2x128x128xf32, #tpu.memory_space<vmem>> -> memref<1x128x128xf32, #tpu.memory_space<vmem>>
        %dma_wait3A_94 = tpu.memref_squeeze %dma_wait3A_93 : memref<1x128x128xf32, #tpu.memory_space<vmem>> -> memref<128x128xf32, #tpu.memory_space<vmem>>
        %dma_wait3A_95 = arith.constant 0 : i32
        %dma_wait3A_96 = tpu.memref_slice %arg6[%add3A_65, %dma_wait3A_95] : memref<40x128xi32, #tpu.memory_space<vmem>> -> memref<1x128xi32, #tpu.memory_space<vmem>>
        %dma_wait3A_97 = tpu.memref_squeeze %dma_wait3A_96 : memref<1x128xi32, #tpu.memory_space<vmem>> -> memref<128xi32, #tpu.memory_space<vmem>>
        %dma_wait3A_98 = arith.constant 0 : i32
        %dma_wait3A_99 = arith.constant 0 : i32
        %dma_wait3A_100 = tpu.memref_slice %arg2[%dma_wait3A_98, %dma_wait3A_99] : memref<10240x128xf32, #tpu.memory_space<hbm>> -> memref<10240x128xf32, #tpu.memory_space<hbm>>
        tpu.wait_indirect_dma semaphore(%arg11 : memref<!tpu.dma_semaphore, #tpu.memory_space<semaphore_mem>>) src(%dma_wait3A_100 : memref<10240x128xf32, #tpu.memory_space<hbm>>) dst(%dma_wait3A_94 : memref<128x128xf32, #tpu.memory_space<vmem>>)
        %add3A_101 = arith.constant 1 : i32
        %add3A_102 = arith.addi %mul3A_51, %add3A_101 : i32
        %run_scoped3A_103 = arith.constant 1 : i32
        "tpu.region"() ({
          %run_scoped3A_104 = tpu.sem_alloc : memref<!tpu.dma_semaphore, #tpu.memory_space<semaphore_mem>>
          %dma_start3A_105 = arith.constant 0 : i32
          %dma_start3A_106 = arith.constant 0 : i32
          %dma_start3A_107 = tpu.memref_slice %arg8[%run_scoped3A_103, %dma_start3A_105, %dma_start3A_106] : memref<2x128x128xf32, #tpu.memory_space<vmem>> -> memref<1x128x128xf32, #tpu.memory_space<vmem>>
          %dma_start3A_108 = tpu.memref_squeeze %dma_start3A_107 : memref<1x128x128xf32, #tpu.memory_space<vmem>> -> memref<128x128xf32, #tpu.memory_space<vmem>>
          %dma_start3A_109 = arith.constant 0 : i32
          %dma_start3A_110 = tpu.memref_slice %arg7[%add3A_102, %dma_start3A_109] : memref<40x128xi32, #tpu.memory_space<vmem>> -> memref<1x128xi32, #tpu.memory_space<vmem>>
          %dma_start3A_111 = tpu.memref_squeeze %dma_start3A_110 : memref<1x128xi32, #tpu.memory_space<vmem>> -> memref<128xi32, #tpu.memory_space<vmem>>
          %dma_start3A_112 = arith.constant 0 : i32
          %dma_start3A_113 = arith.constant 0 : i32
          %dma_start3A_114 = tpu.memref_slice %arg9[%dma_start3A_112, %dma_start3A_113] : memref<10240x128xf32, #tpu.memory_space<vmem_shared>> -> memref<10240x128xf32, #tpu.memory_space<vmem_shared>>
          tpu.enqueue_indirect_dma source(%dma_start3A_108 : memref<128x128xf32, #tpu.memory_space<vmem>>) target(%dma_start3A_114 : memref<10240x128xf32, #tpu.memory_space<vmem_shared>>) offsets(%dma_start3A_111 : memref<128xi32, #tpu.memory_space<vmem>>) semaphore(%run_scoped3A_104 : memref<!tpu.dma_semaphore, #tpu.memory_space<semaphore_mem>>) {add = true}
          %dma_wait3A_115 = arith.constant 0 : i32
          %dma_wait3A_116 = arith.constant 0 : i32
          %dma_wait3A_117 = tpu.memref_slice %arg8[%run_scoped3A_103, %dma_wait3A_115, %dma_wait3A_116] : memref<2x128x128xf32, #tpu.memory_space<vmem>> -> memref<1x128x128xf32, #tpu.memory_space<vmem>>
          %dma_wait3A_118 = tpu.memref_squeeze %dma_wait3A_117 : memref<1x128x128xf32, #tpu.memory_space<vmem>> -> memref<128x128xf32, #tpu.memory_space<vmem>>
          %dma_wait3A_119 = arith.constant 0 : i32
          %dma_wait3A_120 = tpu.memref_slice %arg7[%add3A_102, %dma_wait3A_119] : memref<40x128xi32, #tpu.memory_space<vmem>> -> memref<1x128xi32, #tpu.memory_space<vmem>>
          %dma_wait3A_121 = tpu.memref_squeeze %dma_wait3A_120 : memref<1x128xi32, #tpu.memory_space<vmem>> -> memref<128xi32, #tpu.memory_space<vmem>>
          %dma_wait3A_122 = arith.constant 0 : i32
          %dma_wait3A_123 = arith.constant 0 : i32
          %dma_wait3A_124 = tpu.memref_slice %arg9[%dma_wait3A_122, %dma_wait3A_123] : memref<10240x128xf32, #tpu.memory_space<vmem_shared>> -> memref<10240x128xf32, #tpu.memory_space<vmem_shared>>
          tpu.wait_indirect_dma semaphore(%run_scoped3A_104 : memref<!tpu.dma_semaphore, #tpu.memory_space<semaphore_mem>>) src(%dma_wait3A_118 : memref<128x128xf32, #tpu.memory_space<vmem>>) dst(%dma_wait3A_124 : memref<10240x128xf32, #tpu.memory_space<vmem_shared>>)
          tpu.yield
        }) : () -> ()
      }
      %scan3A_48 = arith.constant 20 : i32
    }
    %scan3A_33 = arith.constant 2 : i32
    %barrier3A_34 = arith.constant 0 : index
    tpu.barrier barrier_id(%barrier3A_34)
    %mul3A_35 = arith.constant 640 : i32
    %mul3A_36 = arith.muli %arg1, %mul3A_35 : i32
    %mul3A_37 = arith.constant 640 : i32
    %mul3A_38 = arith.muli %arg1, %mul3A_37 : i32
    "tpu.region"() ({
      %run_scoped3A_39 = tpu.sem_alloc : memref<!tpu.dma_semaphore, #tpu.memory_space<semaphore_mem>>
      %dma_start3A = arith.constant 0 : i32
      %dma_start3A_40 = tpu.memref_slice %arg5[%arg0, %mul3A_38, %dma_start3A] : memref<2x10240x128xf32, #tpu.memory_space<hbm>> -> memref<1x640x128xf32, #tpu.memory_space<hbm>>
      %dma_start3A_41 = tpu.memref_squeeze %dma_start3A_40 : memref<1x640x128xf32, #tpu.memory_space<hbm>> -> memref<640x128xf32, #tpu.memory_space<hbm>>
      %dma_start3A_42 = arith.constant 0 : i32
      %dma_start3A_43 = tpu.memref_slice %arg9[%mul3A_36, %dma_start3A_42] : memref<10240x128xf32, #tpu.memory_space<vmem_shared>> -> memref<640x128xf32, #tpu.memory_space<vmem_shared>>
      tpu.enqueue_dma source(%dma_start3A_43 : memref<640x128xf32, #tpu.memory_space<vmem_shared>>) target(%dma_start3A_41 : memref<640x128xf32, #tpu.memory_space<hbm>>) target_semaphore(%run_scoped3A_39 : memref<!tpu.dma_semaphore, #tpu.memory_space<semaphore_mem>>)
      %dma_wait3A = arith.constant 0 : i32
      %dma_wait3A_44 = tpu.memref_slice %arg5[%arg0, %mul3A_38, %dma_wait3A] : memref<2x10240x128xf32, #tpu.memory_space<hbm>> -> memref<1x640x128xf32, #tpu.memory_space<hbm>>
      %dma_wait3A_45 = tpu.memref_squeeze %dma_wait3A_44 : memref<1x640x128xf32, #tpu.memory_space<hbm>> -> memref<640x128xf32, #tpu.memory_space<hbm>>
      %dma_wait3A_46 = arith.constant 0 : i32
      %dma_wait3A_47 = tpu.memref_slice %arg9[%mul3A_36, %dma_wait3A_46] : memref<10240x128xf32, #tpu.memory_space<vmem_shared>> -> memref<640x128xf32, #tpu.memory_space<vmem_shared>>
      tpu.wait_dma2 semaphore(%run_scoped3A_39 : memref<!tpu.dma_semaphore, #tpu.memory_space<semaphore_mem>>) src(%dma_wait3A_47 : memref<640x128xf32, #tpu.memory_space<vmem_shared>>) dst(%dma_wait3A_45 : memref<640x128xf32, #tpu.memory_space<hbm>>)
      tpu.yield
    }) : () -> ()
    return
  }
}

module attributes {stable_mosaic.version = 14 : i64} {
  func.func @body(%arg0: i32, %arg1: memref<256x128xf32, #tpu.memory_space<vmem>>, %arg2: memref<128x128xf32, #tpu.memory_space<vmem>>, %arg3: memref<2x256x16xf32, #tpu.memory_space<vmem>>, %arg4: memref<256x128xf32, #tpu.memory_space<vmem>>, %arg5: memref<256x16xf32, #tpu.memory_space<vmem>>) attributes {dimension_semantics = [#tpu.dimension_semantics<arbitrary>], iteration_bounds = array<i64: 40>, scalar_prefetch = 0 : i64, scratch_operands = 0 : i64, tpu.core_type = #tpu.core_type<tc>, window_params = [{transform_indices = @transform_0, window_bounds = array<i64: 256, 128>}, {pipeline_mode = #tpu.pipeline_mode<synchronous>, transform_indices = @transform_1, window_bounds = array<i64: 128, 128>}, {transform_indices = @transform_2, window_bounds = array<i64: 2, 256, 16>}, {transform_indices = @transform_3, window_bounds = array<i64: 256, 128>}, {transform_indices = @transform_4, window_bounds = array<i64: 256, 16>}]} {
    %get3A = arith.constant 0 : index
    %get3A_0 = arith.constant 0 : index
    %get3A_1 = vector.load %arg1[%get3A, %get3A_0] : memref<256x128xf32, #tpu.memory_space<vmem>>, vector<256x128xf32>
    %get3A_2 = arith.constant 0 : index
    %get3A_3 = arith.constant 0 : index
    %get3A_4 = vector.load %arg2[%get3A_2, %get3A_3] : memref<128x128xf32, #tpu.memory_space<vmem>>, vector<128x128xf32>
    %dot_general3A = arith.constant dense<0.000000e+00> : vector<256x128xf32>
    %dot_general3A_5 = tpu.matmul %get3A_1, %get3A_4, %dot_general3A {dimension_numbers = #tpu.dot_dimension_numbers<[1], [0], [0], [1], [0, 0, 1, 1], [], []>, transpose_lhs_hint = false} : vector<256x128xf32>, vector<128x128xf32>, vector<256x128xf32> -> vector<256x128xf32>
    %get3A_6 = arith.constant 0 : index
    %get3A_7 = arith.constant 0 : index
    %get3A_8 = arith.constant 0 : index
    %get3A_9 = vector.load %arg3[%get3A_6, %get3A_7, %get3A_8] : memref<2x256x16xf32, #tpu.memory_space<vmem>>, vector<1x256x16xf32>
    %get3A_10 = vector.shape_cast %get3A_9 : vector<1x256x16xf32> to vector<256x16xf32>
    %add3A = arith.constant 1.000000e+00 : f32
    %add3A_11 = vector.broadcast %add3A : f32 to vector<256x16xf32>
    %add3A_12 = arith.addf %add3A_11, %get3A_10 : vector<256x16xf32>
    %get3A_13 = arith.constant 1 : index
    %get3A_14 = arith.constant 0 : index
    %get3A_15 = arith.constant 0 : index
    %get3A_16 = vector.load %arg3[%get3A_13, %get3A_14, %get3A_15] : memref<2x256x16xf32, #tpu.memory_space<vmem>>, vector<1x256x16xf32>
    %get3A_17 = vector.shape_cast %get3A_16 : vector<1x256x16xf32> to vector<256x16xf32>
    %add3A_18 = arith.addf %add3A_12, %get3A_17 : vector<256x16xf32>
    %rsqrt3A = math.rsqrt %add3A_18 : vector<256x16xf32>
    %swap3A = arith.constant 0 : index
    %swap3A_19 = arith.constant 0 : index
    %swap3A_20 = vector.load %arg5[%swap3A, %swap3A_19] : memref<256x16xf32, #tpu.memory_space<vmem>>, vector<256x16xf32>
    tpu.vector_store %arg5[%swap3A, %swap3A_19], %rsqrt3A {strides = array<i32>} : memref<256x16xf32, #tpu.memory_space<vmem>>, vector<256x16xf32>,
    %slice3A = vector.extract_strided_slice %rsqrt3A {offsets = [0, 0], sizes = [256, 1], strides = [1, 1]} : vector<256x16xf32> to vector<256x1xf32>
    %mul3A = vector.broadcast %slice3A : vector<256x1xf32> to vector<256x128xf32>
    %mul3A_21 = arith.mulf %dot_general3A_5, %mul3A : vector<256x128xf32>
    %swap3A_22 = arith.constant 0 : index
    %swap3A_23 = arith.constant 0 : index
    %swap3A_24 = vector.load %arg4[%swap3A_22, %swap3A_23] : memref<256x128xf32, #tpu.memory_space<vmem>>, vector<256x128xf32>
    tpu.vector_store %arg4[%swap3A_22, %swap3A_23], %mul3A_21 {strides = array<i32>} : memref<256x128xf32, #tpu.memory_space<vmem>>, vector<256x128xf32>,
    return
  }
  func.func @transform_0(%arg0: i32) -> (i32, i32) {
    %c0_i32 = arith.constant 0 : i32
    %c0_i32_0 = arith.constant 0 : i32
    return %arg0, %c0_i32 : i32, i32
  }
  func.func @transform_1(%arg0: i32) -> (i32, i32) {
    %c0_i32 = arith.constant 0 : i32
    %c0_i32_0 = arith.constant 0 : i32
    %c0_i32_1 = arith.constant 0 : i32
    return %c0_i32, %c0_i32_0 : i32, i32
  }
  func.func @transform_2(%arg0: i32) -> (i32, i32, i32) {
    %c0_i32 = arith.constant 0 : i32
    %c0_i32_0 = arith.constant 0 : i32
    %c0_i32_1 = arith.constant 0 : i32
    return %c0_i32, %arg0, %c0_i32_0 : i32, i32, i32
  }
  func.func @transform_3(%arg0: i32) -> (i32, i32) {
    %c0_i32 = arith.constant 0 : i32
    %c0_i32_0 = arith.constant 0 : i32
    return %arg0, %c0_i32 : i32, i32
  }
  func.func @transform_4(%arg0: i32) -> (i32, i32) {
    %c0_i32 = arith.constant 0 : i32
    %c0_i32_0 = arith.constant 0 : i32
    return %arg0, %c0_i32 : i32, i32
  }
}

module attributes {stable_mosaic.version = 14 : i64} {
  func.func @body(%arg0: i32, %arg1: memref<2x256x128xf32, #tpu.memory_space<vmem>>, %arg2: memref<256x128xf32, #tpu.memory_space<vmem>>, %arg3: memref<256x16xf32, #tpu.memory_space<vmem>>, %arg4: memref<1x128xf32, #tpu.memory_space<vmem>>, %arg5: memref<128x64xf32, #tpu.memory_space<vmem>>, %arg6: memref<256x64xf32, #tpu.memory_space<vmem>>) attributes {dimension_semantics = [#tpu.dimension_semantics<arbitrary>], iteration_bounds = array<i64: 40>, scalar_prefetch = 0 : i64, scratch_operands = 0 : i64, tpu.core_type = #tpu.core_type<tc>, window_params = [{transform_indices = @transform_0, window_bounds = array<i64: 2, 256, 128>}, {transform_indices = @transform_1, window_bounds = array<i64: 256, 128>}, {transform_indices = @transform_2, window_bounds = array<i64: 256, 16>}, {pipeline_mode = #tpu.pipeline_mode<synchronous>, transform_indices = @transform_3, window_bounds = array<i64: 1, 128>}, {pipeline_mode = #tpu.pipeline_mode<synchronous>, transform_indices = @transform_4, window_bounds = array<i64: 128, 64>}, {transform_indices = @transform_5, window_bounds = array<i64: 256, 64>}]} {
    %get3A = arith.constant 0 : index
    %get3A_0 = arith.constant 0 : index
    %get3A_1 = vector.load %arg3[%get3A, %get3A_0] : memref<256x16xf32, #tpu.memory_space<vmem>>, vector<256x1xf32>
    %get3A_2 = arith.constant 0 : index
    %get3A_3 = arith.constant 0 : index
    %get3A_4 = arith.constant 0 : index
    %get3A_5 = vector.load %arg1[%get3A_2, %get3A_3, %get3A_4] : memref<2x256x128xf32, #tpu.memory_space<vmem>>, vector<1x256x128xf32>
    %get3A_6 = vector.shape_cast %get3A_5 : vector<1x256x128xf32> to vector<256x128xf32>
    %get3A_7 = arith.constant 1 : index
    %get3A_8 = arith.constant 0 : index
    %get3A_9 = arith.constant 0 : index
    %get3A_10 = vector.load %arg1[%get3A_7, %get3A_8, %get3A_9] : memref<2x256x128xf32, #tpu.memory_space<vmem>>, vector<1x256x128xf32>
    %get3A_11 = vector.shape_cast %get3A_10 : vector<1x256x128xf32> to vector<256x128xf32>
    %add3A = arith.addf %get3A_6, %get3A_11 : vector<256x128xf32>
    %get3A_12 = arith.constant 0 : index
    %get3A_13 = arith.constant 0 : index
    %get3A_14 = vector.load %arg2[%get3A_12, %get3A_13] : memref<256x128xf32, #tpu.memory_space<vmem>>, vector<256x128xf32>
    %add3A_15 = arith.addf %add3A, %get3A_14 : vector<256x128xf32>
    %mul3A = vector.broadcast %get3A_1 : vector<256x1xf32> to vector<256x128xf32>
    %mul3A_16 = arith.mulf %mul3A, %add3A_15 : vector<256x128xf32>
    %get3A_17 = arith.constant 0 : index
    %get3A_18 = arith.constant 0 : index
    %get3A_19 = vector.load %arg4[%get3A_17, %get3A_18] : memref<1x128xf32, #tpu.memory_space<vmem>>, vector<1x128xf32>
    %add3A_20 = vector.broadcast %get3A_19 : vector<1x128xf32> to vector<256x128xf32>
    %add3A_21 = arith.addf %mul3A_16, %add3A_20 : vector<256x128xf32>
    %max3A = arith.constant 0.000000e+00 : f32
    %max3A_22 = vector.broadcast %max3A : f32 to vector<256x128xf32>
    %max3A_23 = arith.maximumf %add3A_21, %max3A_22 : vector<256x128xf32>
    %get3A_24 = arith.constant 0 : index
    %get3A_25 = arith.constant 0 : index
    %get3A_26 = vector.load %arg5[%get3A_24, %get3A_25] : memref<128x64xf32, #tpu.memory_space<vmem>>, vector<128x64xf32>
    %dot_general3A = arith.constant dense<0.000000e+00> : vector<256x64xf32>
    %dot_general3A_27 = tpu.matmul %max3A_23, %get3A_26, %dot_general3A {dimension_numbers = #tpu.dot_dimension_numbers<[1], [0], [0], [1], [0, 0, 1, 1], [], []>, transpose_lhs_hint = false} : vector<256x128xf32>, vector<128x64xf32>, vector<256x64xf32> -> vector<256x64xf32>
    %mul3A_28 = vector.broadcast %get3A_1 : vector<256x1xf32> to vector<256x64xf32>
    %mul3A_29 = arith.mulf %mul3A_28, %dot_general3A_27 : vector<256x64xf32>
    %swap3A = arith.constant 0 : index
    %swap3A_30 = arith.constant 0 : index
    %swap3A_31 = vector.load %arg6[%swap3A, %swap3A_30] : memref<256x64xf32, #tpu.memory_space<vmem>>, vector<256x64xf32>
    tpu.vector_store %arg6[%swap3A, %swap3A_30], %mul3A_29 {strides = array<i32>} : memref<256x64xf32, #tpu.memory_space<vmem>>, vector<256x64xf32>,
    return
  }
  func.func @transform_0(%arg0: i32) -> (i32, i32, i32) {
    %c0_i32 = arith.constant 0 : i32
    %c0_i32_0 = arith.constant 0 : i32
    %c0_i32_1 = arith.constant 0 : i32
    return %c0_i32, %arg0, %c0_i32_0 : i32, i32, i32
  }
  func.func @transform_1(%arg0: i32) -> (i32, i32) {
    %c0_i32 = arith.constant 0 : i32
    %c0_i32_0 = arith.constant 0 : i32
    return %arg0, %c0_i32 : i32, i32
  }
  func.func @transform_2(%arg0: i32) -> (i32, i32) {
    %c0_i32 = arith.constant 0 : i32
    %c0_i32_0 = arith.constant 0 : i32
    return %arg0, %c0_i32 : i32, i32
  }
  func.func @transform_3(%arg0: i32) -> (i32, i32) {
    %c0_i32 = arith.constant 0 : i32
    %c0_i32_0 = arith.constant 0 : i32
    %c0_i32_1 = arith.constant 0 : i32
    return %c0_i32, %c0_i32_0 : i32, i32
  }
  func.func @transform_4(%arg0: i32) -> (i32, i32) {
    %c0_i32 = arith.constant 0 : i32
    %c0_i32_0 = arith.constant 0 : i32
    %c0_i32_1 = arith.constant 0 : i32
    return %c0_i32, %c0_i32_0 : i32, i32
  }
  func.func @transform_5(%arg0: i32) -> (i32, i32) {
    %c0_i32 = arith.constant 0 : i32
    %c0_i32_0 = arith.constant 0 : i32
    return %arg0, %c0_i32 : i32, i32
  }
}

module attributes {stable_mosaic.version = 14 : i64} {
  func.func @body(%arg0: i32, %arg1: memref<2x400x64xf32, #tpu.memory_space<vmem>>, %arg2: memref<400x64xf32, #tpu.memory_space<vmem>>, %arg3: memref<400x16xf32, #tpu.memory_space<vmem>>, %arg4: memref<1x64xf32, #tpu.memory_space<vmem>>, %arg5: memref<400x64xf32, #tpu.memory_space<vmem>>, %arg6: memref<400x64xf32, #tpu.memory_space<vmem>>) attributes {dimension_semantics = [#tpu.dimension_semantics<arbitrary>], iteration_bounds = array<i64: 25>, scalar_prefetch = 0 : i64, scratch_operands = 0 : i64, tpu.core_type = #tpu.core_type<tc>, window_params = [{transform_indices = @transform_0, window_bounds = array<i64: 2, 400, 64>}, {transform_indices = @transform_1, window_bounds = array<i64: 400, 64>}, {transform_indices = @transform_2, window_bounds = array<i64: 400, 16>}, {pipeline_mode = #tpu.pipeline_mode<synchronous>, transform_indices = @transform_3, window_bounds = array<i64: 1, 64>}, {transform_indices = @transform_4, window_bounds = array<i64: 400, 64>}, {transform_indices = @transform_5, window_bounds = array<i64: 400, 64>}]} {
    %get3A = arith.constant 0 : index
    %get3A_0 = arith.constant 0 : index
    %get3A_1 = vector.load %arg3[%get3A, %get3A_0] : memref<400x16xf32, #tpu.memory_space<vmem>>, vector<400x1xf32>
    %get3A_2 = arith.constant 0 : index
    %get3A_3 = arith.constant 0 : index
    %get3A_4 = arith.constant 0 : index
    %get3A_5 = vector.load %arg1[%get3A_2, %get3A_3, %get3A_4] : memref<2x400x64xf32, #tpu.memory_space<vmem>>, vector<1x400x64xf32>
    %get3A_6 = vector.shape_cast %get3A_5 : vector<1x400x64xf32> to vector<400x64xf32>
    %get3A_7 = arith.constant 1 : index
    %get3A_8 = arith.constant 0 : index
    %get3A_9 = arith.constant 0 : index
    %get3A_10 = vector.load %arg1[%get3A_7, %get3A_8, %get3A_9] : memref<2x400x64xf32, #tpu.memory_space<vmem>>, vector<1x400x64xf32>
    %get3A_11 = vector.shape_cast %get3A_10 : vector<1x400x64xf32> to vector<400x64xf32>
    %add3A = arith.addf %get3A_6, %get3A_11 : vector<400x64xf32>
    %get3A_12 = arith.constant 0 : index
    %get3A_13 = arith.constant 0 : index
    %get3A_14 = vector.load %arg2[%get3A_12, %get3A_13] : memref<400x64xf32, #tpu.memory_space<vmem>>, vector<400x64xf32>
    %add3A_15 = arith.addf %add3A, %get3A_14 : vector<400x64xf32>
    %mul3A = vector.broadcast %get3A_1 : vector<400x1xf32> to vector<400x64xf32>
    %mul3A_16 = arith.mulf %mul3A, %add3A_15 : vector<400x64xf32>
    %get3A_17 = arith.constant 0 : index
    %get3A_18 = arith.constant 0 : index
    %get3A_19 = vector.load %arg4[%get3A_17, %get3A_18] : memref<1x64xf32, #tpu.memory_space<vmem>>, vector<1x64xf32>
    %add3A_20 = vector.broadcast %get3A_19 : vector<1x64xf32> to vector<400x64xf32>
    %add3A_21 = arith.addf %mul3A_16, %add3A_20 : vector<400x64xf32>
    %swap3A = arith.constant 0 : index
    %swap3A_22 = arith.constant 0 : index
    %swap3A_23 = vector.load %arg6[%swap3A, %swap3A_22] : memref<400x64xf32, #tpu.memory_space<vmem>>, vector<400x64xf32>
    tpu.vector_store %arg6[%swap3A, %swap3A_22], %add3A_21 {strides = array<i32>} : memref<400x64xf32, #tpu.memory_space<vmem>>, vector<400x64xf32>,
    %reduce_max3A = arith.constant dense<0xFF800000> : vector<400xf32>
    %reduce_max3A_24 = vector.multi_reduction <maximumf>, %add3A_21, %reduce_max3A [1] : vector<400x64xf32> to vector<400xf32>
    %broadcast_in_dim3A = vector.shape_cast %reduce_max3A_24 : vector<400xf32> to vector<400x1xf32>
    %sub3A = vector.broadcast %broadcast_in_dim3A : vector<400x1xf32> to vector<400x64xf32>
    %sub3A_25 = arith.subf %add3A_21, %sub3A : vector<400x64xf32>
    %exp3A = math.exp %sub3A_25 : vector<400x64xf32>
    %reduce_sum3A = arith.constant dense<0.000000e+00> : vector<400xf32>
    %reduce_sum3A_26 = vector.multi_reduction <add>, %exp3A, %reduce_sum3A [1] : vector<400x64xf32> to vector<400xf32>
    %broadcast_in_dim3A_27 = vector.shape_cast %reduce_sum3A_26 : vector<400xf32> to vector<400x1xf32>
    %log3A = math.log %broadcast_in_dim3A_27 : vector<400x1xf32>
    %add3A_28 = arith.addf %broadcast_in_dim3A, %log3A : vector<400x1xf32>
    %sub3A_29 = vector.broadcast %add3A_28 : vector<400x1xf32> to vector<400x64xf32>
    %sub3A_30 = arith.subf %add3A_21, %sub3A_29 : vector<400x64xf32>
    %swap3A_31 = arith.constant 0 : index
    %swap3A_32 = arith.constant 0 : index
    %swap3A_33 = vector.load %arg5[%swap3A_31, %swap3A_32] : memref<400x64xf32, #tpu.memory_space<vmem>>, vector<400x64xf32>
    tpu.vector_store %arg5[%swap3A_31, %swap3A_32], %sub3A_30 {strides = array<i32>} : memref<400x64xf32, #tpu.memory_space<vmem>>, vector<400x64xf32>,
    return
  }
  func.func @transform_0(%arg0: i32) -> (i32, i32, i32) {
    %c0_i32 = arith.constant 0 : i32
    %c0_i32_0 = arith.constant 0 : i32
    %c0_i32_1 = arith.constant 0 : i32
    return %c0_i32, %arg0, %c0_i32_0 : i32, i32, i32
  }
  func.func @transform_1(%arg0: i32) -> (i32, i32) {
    %c0_i32 = arith.constant 0 : i32
    %c0_i32_0 = arith.constant 0 : i32
    return %arg0, %c0_i32 : i32, i32
  }
  func.func @transform_2(%arg0: i32) -> (i32, i32) {
    %c0_i32 = arith.constant 0 : i32
    %c0_i32_0 = arith.constant 0 : i32
    return %arg0, %c0_i32 : i32, i32
  }
  func.func @transform_3(%arg0: i32) -> (i32, i32) {
    %c0_i32 = arith.constant 0 : i32
    %c0_i32_0 = arith.constant 0 : i32
    %c0_i32_1 = arith.constant 0 : i32
    return %c0_i32, %c0_i32_0 : i32, i32
  }
  func.func @transform_4(%arg0: i32) -> (i32, i32) {
    %c0_i32 = arith.constant 0 : i32
    %c0_i32_0 = arith.constant 0 : i32
    return %arg0, %c0_i32 : i32, i32
  }
  func.func @transform_5(%arg0: i32) -> (i32, i32) {
    %c0_i32 = arith.constant 0 : i32
    %c0_i32_0 = arith.constant 0 : i32
    return %arg0, %c0_i32 : i32, i32
  }
}

</mosaic_0001>

<sc_bundles>
// kernel: kernel.11.cloned.1.call-start
scs
__scs_entry_jumppad:
0x0: {  	(pc) =	sbr.rel $0x88, $3  }
0x1: {  	(tag) =	ssettag $0x0;
	lr =	simm.s32 $0x1  }
0x2: {  	[smem:$0x3F9B] =	sst lr;
	_ =	strace $0xD0000000  }
0x3: {  	_ = 	snop  }
0x4: {  	_ = 	snop  }
0x5: {  	_ = 	snop  }
0x6: {  	_ = 	snop  }
0x7: {  	_ = 	snop  }
__scs_overlays_trampoline_lowered:
0x8: {  	[smem:$0x3FAA] =	sst s0  }
0x9: {  	[smem:$0x3FAB] =	sst s1  }
0xa: {  	[smem:$0x3FAC] =	sst s2  }
0xb: {  	[smem:$0x3FAD] =	sst s3  }
0xc: {  	[smem:$0x3FAE] =	sst s4  }
0xd: {  	[smem:$0x3FAF] =	sst s5  }
0xe: {  	[smem:$0x3FB0] =	sst s6  }
0xf: {  	[smem:$0x3FB1] =	sst s7  }
0x10: {  	[smem:$0x3FB2] =	sst s8  }
0x11: {  	[smem:$0x3FB3] =	sst s9;
	s0 =	simm.s32 @!p0 $0x0  }
0x12: {  	s1 =	sld [smem:$0x3F99];
	s0 =	simm.s32 @p0 $0x1  }
0x13: {  	[smem:$0x3FB4] =	sst s0;
	s0 =	simm.s32 @!p1 $0x0  }
0x14: {  	s2 =	sld [smem:$0x3F98];
	s0 =	simm.s32 @p1 $0x1  }
0x15: {  	[smem:$0x3FB5] =	sst s0;
	s0 =	simm.s32 @!p2 $0x0  }
0x16: {  	s3 =	sld [smem:$0x3FDB];
	s0 =	simm.s32 @p2 $0x1  }
0x17: {  	s4 =	simm.s32 $0x1BF5;
	[smem:$0x3FB7] =	sst s0  }
0x18: {  	s0 =	sld [smem:$0x3F9A];
	_ =	swait.ge [sflag:s4], $0x0  }
0x19: {  	s7 =	sld [smem:$0x3F9B]  }
0x1a: {  	s8 =	sadd.s32 $0xFFFFE003, lr  }
0x1b: {  	s9 =	sadd.s32 $0xFFFFFEF7, lr;
	s5 =	simm.s32 $0xFFFFFFFF;
	p2 =	slt.u32 s8, $0xFFFFF086  }
0x1c: {  	p1 =	slt.u32 s9, $0xF7A;
	s5 =	simm.s32 @!p2 $0x0  }
0x1d: {  	s5 =	simm.s32 @p1 $0x1;
	p0 =	seq.s32 s7, s2  }
0x1e: {  	s7 =	smul.u32 @!p0 $0xF7A, s2;
	p2 =	seq.s32 @!p0 s5, $0x0  }
0x1f: {  	s9 =	smul.u32 $0xF7A, s1;
	s8 =	simm.s32 @!p0 $0x1BF5;
	p2 =	por !p2, p0  }
0x20: {  	[sflag:s8] =	ssyncset.s32 @!p0 $0xFFFFF086;
	s6 =	sadd.s32 @!p0 s3, s7;
	s7 =	simm.s32 @!p0 $0x108  }
0x21: {  	s3 =	sadd.s32 s3, s9;
	s6 =	sadd.s32 @!p0 $0x88, s6;
	s7 =	simm.s32 @p2 $0x1082  }
0x22: {  	[simem:s7], [sflag:s8] =	dma.local @!p0 [hbm:s6], $0xF7A  }
0x23: {  	s9 =	sor.u32 $0xD0000000, s2;
	s6 =	simm.s32 $0x108;
	_ =	swait.ge @!p0 [sflag:s8], $0x0  }
0x24: {  	s3 =	sadd.s32 $0x88, s3;
	s6 =	simm.s32 @!p1 $0x1082;
	[sflag:s4] =	ssyncset.s32 $0xFFFFF086  }
0x25: {  	[simem:s6], [sflag:s4] =	dma.local [hbm:s3], $0xF7A  }
0x26: {  	[smem:$0x3F9B] =	sst s1;
	(tag) =	ssettag s2;
	_ =	strace s9  }
0x27: {  	s1 =	sld [smem:$0x3FAB]  }
0x28: {  	s2 =	sld [smem:$0x3FAC]  }
0x29: {  	s4 =	sld [smem:$0x3FAE]  }
0x2a: {  	p0 =	seq.s32 s5, $0x0;
	s5 =	sld [smem:$0x3FAF]  }
0x2b: {  	s6 =	sld [smem:$0x3FB0]  }
0x2c: {  	s7 =	sld [smem:$0x3FB1]  }
0x2d: {  	s3 =	simm.s32 $0x108;
	s8 =	sld [smem:$0x3FB2]  }
0x2e: {  	s3 =	simm.s32 @!p0 $0x1082;
	s9 =	sld [smem:$0x3FB3]  }
0x2f: {  	lr =	sadd.s32 s0, s3;
	s0 =	sld [smem:$0x3FAA]  }
0x30: {  	s3 =	sld [smem:$0x3FAD]  }
0x31: {  	[smem:$0x3FB6] =	sst s10  }
0x32: {  	s10 =	sld [smem:$0x3FB4];
	_ =	sdelay $0x3  }
0x33: {  	p0 =	seq.s32 s10, $0x1;
	s10 =	sld [smem:$0x3FB6];
	_ =	sdelay $0x3  }
0x34: {  	[smem:$0x3FB6] =	sst s10  }
0x35: {  	s10 =	sld [smem:$0x3FB5];
	_ =	sdelay $0x3  }
0x36: {  	p1 =	seq.s32 s10, $0x1;
	s10 =	sld [smem:$0x3FB6];
	_ =	sdelay $0x3  }
0x37: {  	[smem:$0x3FB6] =	sst s10  }
0x38: {  	s10 =	sld [smem:$0x3FB7]  }
0x39: {  	_ = 	snop;
	(pc) =	sbr.ind lr, $3  }
0x3a: {  	_ = 	snop  }
0x3b: {  	_ = 	snop  }
0x3c: {  	p2 =	seq.s32 s10, $0x1;
	s10 =	sld [smem:$0x3FB6]  }
0x3d: {  	_ =	shalt  }
0x3e: {  	_ =	shalt  }
0x3f: {  	_ =	shalt  }
0x40: {  	_ =	shalt  }
0x41: {  	_ =	shalt  }
0x42: {  	_ =	shalt  }
0x43: {  	_ =	shalt  }
0x44: {  	_ =	shalt  }
0x45: {  	_ =	shalt  }
0x46: {  	_ =	shalt  }
0x47: {  	_ =	shalt  }
0x48: {  	_ =	shalt  }
0x49: {  	_ =	shalt  }
0x4a: {  	_ =	shalt  }
0x4b: {  	_ =	shalt  }
0x4c: {  	_ =	shalt  }
0x4d: {  	_ =	shalt  }
0x4e: {  	_ =	shalt  }
0x4f: {  	_ =	shalt  }
0x50: {  	_ =	shalt  }
0x51: {  	_ =	shalt  }
0x52: {  	_ =	shalt  }
0x53: {  	_ =	shalt  }
0x54: {  	_ =	shalt  }
0x55: {  	_ =	shalt  }
0x56: {  	_ =	shalt  }
0x57: {  	_ =	shalt  }
0x58: {  	_ =	shalt  }
0x59: {  	_ =	shalt  }
0x5a: {  	_ =	shalt  }
0x5b: {  	_ =	shalt  }
0x5c: {  	_ =	shalt  }
0x5d: {  	_ =	shalt  }
0x5e: {  	_ =	shalt  }
0x5f: {  	_ =	shalt  }
0x60: {  	_ =	shalt  }
0x61: {  	_ =	shalt  }
0x62: {  	_ =	shalt  }
0x63: {  	_ =	shalt  }
0x64: {  	_ =	shalt  }
0x65: {  	_ =	shalt  }
0x66: {  	_ =	shalt  }
0x67: {  	_ =	shalt  }
0x68: {  	_ =	shalt  }
0x69: {  	_ =	shalt  }
0x6a: {  	_ =	shalt  }
0x6b: {  	_ =	shalt  }
0x6c: {  	_ =	shalt  }
0x6d: {  	_ =	shalt  }
0x6e: {  	_ =	shalt  }
0x6f: {  	_ =	shalt  }
0x70: {  	_ =	shalt  }
0x71: {  	_ =	shalt  }
0x72: {  	_ =	shalt  }
0x73: {  	_ =	shalt  }
0x74: {  	_ =	shalt  }
0x75: {  	_ =	shalt  }
0x76: {  	_ =	shalt  }
0x77: {  	_ =	shalt  }
0x78: {  	_ =	shalt  }
0x79: {  	_ =	shalt  }
0x7a: {  	_ =	shalt  }
0x7b: {  	_ =	shalt  }
0x7c: {  	_ =	shalt  }
0x7d: {  	_ =	shalt  }
0x7e: {  	_ =	shalt  }
0x7f: {  	_ =	shalt  }
0x80: {  	_ =	shalt  }
0x81: {  	_ =	shalt  }
0x82: {  	_ =	shalt  }
0x83: {  	_ =	shalt  }
0x84: {  	_ =	shalt  }
0x85: {  	_ =	shalt  }
0x86: {  	_ =	shalt  }
0x87: {  	_ =	shalt  }
.Lfunc_end0:
.L_simem_size_0:
called_computation.1_lowered:
.L_overlay_start_0:
0x88: {  	s2 =	sld [smem:$0x3FD9]  }
0x89: {  	s3 =	sld [smem:$0x3FFE];
	_ =	sdelay $0x1  }
0x8a: {  	s1 =	srdreg.scid  }
0x8b: {  	s0 =	sand.u32 $0x1, s1  }
0x8c: {  	s14 =	sshll.u32 s0, $0xA;
	s2 =	sadd.s32 s3, s2  }
0x8d: {  	s2 =	sadd.s32 s2, s14  }
0x8e: {  	[smem:$0x3FC2] =	sst s2  }
0x8f: {  	_ = 	snop  }
0x90: {  	s2 =	sld [smem:$0x3FD0];
	_ =	sdelay $0x2  }
0x91: {  	s15 =	simm.s32 $0xA;
	s4 =	simm.s32 $0x10  }
0x92: {  	[smem:s4], [sflag:s15] =	dma.local [hbm:s2], $0x1  }
0x93: {  	_ =	swait.eq [sflag:s15], $0x1  }
0x94: {  	[sflag:s15] =	ssyncset.done $0x0  }
0x95: {  	s16 =	sld [smem:$0x10];
	[sflag:s15] =	ssyncadd.s32 $0xFFFFFFFF  }
0x96: {  	s17 =	sld [smem:$0x11];
	(tm) =	ssettm $0x1  }
0x97: {  	s18 =	sld [smem:$0x3FFB];
	_ =	sdelay $0x3  }
0x98: {  	_ =	strace s18  }
0x99: {  	s4 =	sld [smem:$0x3FFC];
	_ =	sdelay $0x3  }
0x9a: {  	_ =	strace s4  }
0x9b: {  	s4 =	sld [smem:$0x3FFD];
	_ =	sdelay $0x3  }
0x9c: {  	_ =	strace s4  }
0x9d: {  	_ =	strace $0x8FFFFFFF  }
0x9e: {  	s19 =	sld [smem:$0x3FDB];
	_ =	sdelay $0x1  }
0x9f: {  	s5 =	simm.s32 $_scs_section_size  }
0xa0: {  	s6 =	simm.s32 $_size__tile_overlayer_lowered;
	s7 =	simm.s32 $_tile_overlayer_lowered  }
0xa1: {  	s22 =	simm.s32 $0x1BFF;
	s21 =	sshll.u32 s7, $0x1;
	s4 =	sadd.s32 s5, s19  }
0xa2: {  	s8 =	simm.s32 $0x0;
	s20 =	sshll.u32 s6, $0x1;
	s6 =	sadd.s32 s21, s4  }
0xa3: {  	[timem:s8], [sflag:s22] =	dma.local [hbm:s6], s20  }
0xa4: {  	_ =	swait.ge [sflag:s22], s20  }
0xa5: {  	s5 =	ssub.s32 $0x0, s20;
	[sflag:s22] =	ssyncset.done $0x0  }
0xa6: {  	[sflag:s22] =	ssyncadd.s32 s5;
	_ =	sdelay $0x1  }
0xa7: {  	s23 =	simm.s32 $0x1B8B  }
0xa8: {  	_ =	swait.ge [sflag:s23], $0x1  }
0xa9: {  	[sflag:s23] =	ssyncset.done $0x0  }
0xaa: {  	s25 =	simm.s32 $0x1B8E;
	s24 =	sld [smem:$0x3FFE];
	[sflag:s23] =	ssyncadd.s32 $0xFFFFFFFF  }
0xab: {  	s26 =	simm.s32 $execute0_lowered;
	[smem:$0x3FD2] =	sst s25  }
0xac: {  	s6 =	sshll.u32 s26, $0x1;
	_ =	strace $0x80000049;
	[dreg:$0x1] =	wrdreg $0xFFFFFFFF  }
0xad: {  	s28 =	simm.s32 $_size_execute0_lowered;
	s4 =	sadd.s32 s4, s6;
	[dreg:$0x0] =	wrdreg $0x0  }
0xae: {  	s6 =	sshll.u32 s28, $0x1;
	[dreg:$0x2] =	wrdreg s4  }
0xaf: {  	[dreg:$0x3] =	wrdreg s6  }
0xb0: {  	[dreg:$0x4] =	wrdreg $0xC0  }
0xb1: {  	_ =	task [dreg:s8], $0x5FFFF  }
0xb2: {  	[dreg:$0x1] =	wrdreg $0xFFFFFFFF  }
0xb3: {  	[dreg:$0x0] =	wrdreg $0x60  }
0xb4: {  	[dreg:$0x2] =	wrdreg s24  }
0xb5: {  	[dreg:$0x3] =	wrdreg s17  }
0xb6: {  	[dreg:$0x4] =	wrdreg s16  }
0xb7: {  	[dreg:$0x5] =	wrdreg $0xA8000  }
0xb8: {  	[dreg:$0x6] =	wrdreg $0x9  }
0xb9: {  	_ =	task.clear_ibuf [dreg:s8], $0x7FFFF;
	_ =	strace $0x90000049  }
0xba: {  	s29 =	simm.s32 $0x9;
	_ =	strace $0x8000004B  }
0xbb: {  	_ =	swait.ge [sflag:s29], $0x1  }
0xbc: {  	[sflag:s29] =	ssyncadd.s32 $0xFFFFFFFF  }
0xbd: {  	_ =	strace $0x9000004B  }
0xbe: {  	_ =	sfence  }
0xbf: {  	s30 =	sld [smem:$0x0];
	_ =	sdelay $0x2  }
0xc0: {  	s31 =	sshll.u32 s1, $0xD;
	s1 =	sshrl.u32 s1, $0x2  }
0xc1: {  	s3 =	sand.u32 $0x4000, s31;
	s1 =	sadd.s32 s1, s30  }
0xc2: {  	s0 =	sor.u32 s3, s0;
	s1 =	sshll.u32 s1, $0x11  }
0xc3: {  	s0 =	sor.u32 s1, s0  }
0xc4: {  	s0 =	sadd.s32 $0x8F2B, s0  }
0xc5: {  	[sflag:s0] =	ssyncadd.remote.s32 $0x1  }
0xc6: {  	_ =	sfence.sel $0xFFFF  }
0xc7: {  	[dreg:$0x0] =	wrdreg $0xFFFFFFFF;
	(pc) =	sbr.abs _section_cstart, $3  }
0xc8: {  	[dreg:$0x1] =	wrdreg $0xFFFFFFFF  }
0xc9: {  	_ =	task.clear_ibuf [dreg:s8], $0x2FFFF;
	_ =	strace $0x9FFFFFFF  }
0xca: {  	(tm) =	ssettm $0x7FFFFFFF  }
0xcb: {  	_ =	shalt  }
tec
execute0_lowered:
.L_overlay_start_1:
0x0: {  	(tag) =	ssettag $0x1  }
0x1: {  	s5 =	rddreg [dreg:$0x0]  }
0x2: {  	s14 =	rddreg [dreg:$0x1]  }
0x3: {  	s1 =	srdreg.scid;
	s15 =	rddreg [dreg:$0x2]  }
0x4: {  	s0 =	stileid.u32;
	s2 =	rddreg [dreg:$0x3];
	s3 =	simm.s32 $0x0  }
0x5: {  	s17 =	simm.s32 $0x3;
	s18 =	simm.s32 $0x1400;
	s19 =	simm.s32 $0x80  }
0x6: {  	s20 =	simm.s32 $0x6800;
	s21 =	simm.s32 $0x1;
	s7 =	smul.u32 $0x14000, s0  }
0x7: {  	s6 =	sand.u32 $0x1, s1;
	s1 =	rddreg [dreg:$0x4];
	s9 =	smul.u32 $0x50000, s0  }
0x8: {  	s22 =	simm.s32 $0x2;
	[smem:$0x7FF] =	sst s3;
	s4 =	smul.u32 $0x140000, s6  }
0x9: {  	_ =	strace $0x8000004A;
	s29 =	ssub.s32 $0x2, s6;
	s6 =	sshll.u32 s6, $0x4  }
0xa: {  	s30 =	sshrl.u32 s29, $0x1;
	s9 =	sshrl.u32 s9, $0x2;
	s31 =	sor.u32 s0, s6  }
0xb: {  	s4 =	sadd.s32 s7, s4;
	s11 =	ssub.s32 s29, s30;
	s9 =	sadd.s32 s9, s2  }
0xc: {  	s12 =	smul.u32 $0x2800, s31;
	s8 =	sshrl.u32 s4, $0x3;
	s4 =	sadd.s32 $0x2400, s5  }
0xd: {  	s6 =	sadd.s32 $0x4000, s9;
	s11 =	smax.u32 s11, $0x1;
	s10 =	sadd.s32 s8, s5  }
0xe: {  	s5 =	sadd.s32 s7, s2;
	s7 =	sadd.s32 $0x8000, s9;
	s8 =	sadd.s32 $0xC000, s9  }
0xf: {  	s9 =	sadd.s32 $0x10000, s9;
	s16 =	sshrl.u32 s12, $0x3;
	s10 =	sadd.s32 $0x2A400, s10  }
0x10: {  	s12 =	sadd.s32 s14, s16;
	s13 =	sadd.s32 s15, s16;
	s16 =	sadd.s32 $0x280, s16  }
0x11: {  	v0 =	vimm.f32 $0.0e+00;
	s14 =	sadd.s32 s14, s16;
	s15 =	sadd.s32 s15, s16;
	s16 =	simm.s32 $0x2800  }
.LBB2_1:
0x12: {  	s23 =	simm.s32 $0x0;
	s24 =	simm.s32 $0x200  }
.LBB2_2:
0x13: {  	p0 =	sne.s32 s24, $0xFE00;
	[tilespmem:s23+$0x2870] =	vst v0  }
0x14: {  	[tilespmem:s23+$0x2800] =	vst v0  }
0x15: {  	[tilespmem:s23+$0x2810] =	vst v0  }
.Ltmp0:
0x16: {  	[tilespmem:s23+$0x2820] =	vst v0;
	(pc) =	sbr.rel @p0 .LBB2_2-.Ltmp0, $4  }
0x17: {  	[tilespmem:s23+$0x2830] =	vst v0  }
0x18: {  	[tilespmem:s23+$0x2840] =	vst v0  }
0x19: {  	[tilespmem:s23+$0x2850] =	vst v0  }
0x1a: {  	[tilespmem:s23+$0x2860] =	vst v0;
	s23 =	sshra.s32 s24, $0x2;
	s24 =	sadd.s32 $0x200, s24  }
0x1b: {  	[tilespmem:s23+$0x2870] =	vst v0  }
0x1c: {  	[tilespmem:s23+$0x2800] =	vst v0  }
0x1d: {  	[tilespmem:s23+$0x2810] =	vst v0  }
0x1e: {  	[tilespmem:s23+$0x2820] =	vst v0  }
0x1f: {  	[tilespmem:s23+$0x2830] =	vst v0  }
0x20: {  	[tilespmem:s23+$0x2840] =	vst v0  }
0x21: {  	[tilespmem:s23+$0x2850] =	vst v0  }
0x22: {  	[tilespmem:s23+$0x2860] =	vst v0  }
0x23: {  	[spmem:s5] =	stream.linear.scatter [tilespmem:s16], [sflag:$0x3], $0x4000, $0x38;
	[tilespmem:$0x1E800] =	vst v63  }
0x24: {  	_ =	swait.ge [sflag:s17], $0x4000  }
0x25: {  	[sflag:s17] =	ssyncset.done $0x0  }
0x26: {  	[sflag:s17] =	ssyncadd.s32 $0xFFFFC000  }
0x27: {  	[spmem:s6] =	stream.linear.scatter [tilespmem:s16], [sflag:$0x3], $0x4000, $0x38;
	[tilespmem:$0x1E800] =	vst v63  }
0x28: {  	_ =	swait.ge [sflag:s17], $0x4000  }
0x29: {  	[sflag:s17] =	ssyncset.done $0x0  }
0x2a: {  	[sflag:s17] =	ssyncadd.s32 $0xFFFFC000  }
0x2b: {  	[spmem:s7] =	stream.linear.scatter [tilespmem:s16], [sflag:$0x3], $0x4000, $0x38;
	[tilespmem:$0x1E800] =	vst v63  }
0x2c: {  	_ =	swait.ge [sflag:s17], $0x4000  }
0x2d: {  	[sflag:s17] =	ssyncset.done $0x0  }
0x2e: {  	[sflag:s17] =	ssyncadd.s32 $0xFFFFC000  }
0x2f: {  	[spmem:s8] =	stream.linear.scatter [tilespmem:s16], [sflag:$0x3], $0x4000, $0x38;
	[tilespmem:$0x1E800] =	vst v63  }
0x30: {  	_ =	swait.ge [sflag:s17], $0x4000  }
0x31: {  	[sflag:s17] =	ssyncset.done $0x0  }
0x32: {  	[sflag:s17] =	ssyncadd.s32 $0xFFFFC000  }
0x33: {  	[spmem:s9] =	stream.linear.scatter [tilespmem:s16], [sflag:$0x3], $0x4000, $0x38;
	[tilespmem:$0x1E800] =	vst v63  }
0x34: {  	_ =	swait.ge [sflag:s17], $0x4000  }
0x35: {  	[sflag:s17] =	ssyncset.done $0x0  }
0x36: {  	[sflag:s17] =	ssyncadd.s32 $0xFFFFC000  }
0x37: {  	s26 =	simm.s32 $0x0;
	[bflag:$0x0] =	sbarrier.arrive $0xFFFF  }
0x38: {  	[tilespmem:s26], [sflag:$0x3] =	stream.linear.gather [hbm4b:s12+s26], $0x1400, $0x38;
	[tilespmem:$0x1E800] =	vst v63  }
0x39: {  	_ =	swait.ge [sflag:s17], $0x1400  }
0x3a: {  	[sflag:s17] =	ssyncset.done $0x0  }
0x3b: {  	[sflag:s17] =	ssyncadd.s32 $0xFFFFEC00  }
0x3c: {  	[tilespmem:s18], [sflag:$0x3] =	stream.linear.gather [hbm4b:s13+s26], $0x1400, $0x38;
	[tilespmem:$0x1E800] =	vst v63  }
0x3d: {  	_ =	swait.ge [sflag:s17], $0x1400  }
0x3e: {  	[sflag:s17] =	ssyncset.done $0x0  }
0x3f: {  	s28 =	simm.s32 $0x0;
	[sflag:s17] =	ssyncadd.s32 $0xFFFFEC00  }
0x40: {  	[tilespmem:s16], [sflag:$0x1] =	stream.indirect.gather [hbm4b:s4+s19], $0x80, s28, s19, $0xb8;
	[tilespmem:$0x1E800] =	vst v63  }
0x41: {  	s29 =	simm.s32 $0x80  }
0x42: {  	[tilespmem:s20], [sflag:$0x2] =	stream.indirect.gather [hbm4b:s4+s19], $0x80, s29, s19, $0xb8;
	[tilespmem:$0x1E800] =	vst v63  }
0x43: {  	_ =	swait.ge [sflag:s21], $0x4000  }
0x44: {  	[sflag:s21] =	ssyncset.done $0x0  }
0x45: {  	s30 =	simm.s32 $0x1400;
	[sflag:s21] =	ssyncadd.s32 $0xFFFFC000  }
0x46: {  	[spmem:s2] =	stream.indirect.scatter.add.f32 [tilespmem:s16], [sflag:$0x3], $0x80, s30, s19, $0xb8;
	[tilespmem:$0x1E800] =	vst v63  }
0x47: {  	_ =	swait.ge [sflag:s17], $0x4000  }
0x48: {  	[sflag:s17] =	ssyncset.done $0x0  }
0x49: {  	[sflag:s17] =	ssyncadd.s32 $0xFFFFC000  }
0x4a: {  	_ =	swait.ge [sflag:s22], $0x4000  }
0x4b: {  	[sflag:s22] =	ssyncset.done $0x0  }
0x4c: {  	s31 =	simm.s32 $0x1480;
	[sflag:s22] =	ssyncadd.s32 $0xFFFFC000  }
0x4d: {  	[spmem:s2] =	stream.indirect.scatter.add.f32 [tilespmem:s20], [sflag:$0x3], $0x80, s31, s19, $0xb8;
	[tilespmem:$0x1E800] =	vst v63  }
0x4e: {  	_ =	swait.ge [sflag:s17], $0x4000  }
0x4f: {  	s23 =	simm.s32 $0x400;
	s24 =	simm.s32 $0x800;
	[sflag:s17] =	ssyncset.done $0x0  }
.LBB2_4:
0x50: {  	s25 =	sshra.s32 s23, $0x2  }
0x51: {  	[sflag:s17] =	ssyncadd.s32 $0xFFFFC000;
	s23 =	smov.u32 s24;
	s26 =	sadd.s32 $0x400, s24  }
0x52: {  	[tilespmem:s16], [sflag:$0x1] =	stream.indirect.gather [hbm4b:s4+s19], $0x80, s25, s19, $0xb8;
	[tilespmem:$0x1E800] =	vst v63  }
0x53: {  	p0 =	sne.s32 s24, $0x4C00;
	s24 =	sadd.s32 $0x80, s25  }
0x54: {  	[tilespmem:s20], [sflag:$0x2] =	stream.indirect.gather [hbm4b:s4+s19], $0x80, s24, s19, $0xb8;
	[tilespmem:$0x1E800] =	vst v63  }
0x55: {  	_ =	swait.ge [sflag:s21], $0x4000  }
0x56: {  	[sflag:s21] =	ssyncset.done $0x0  }
0x57: {  	s24 =	sadd.s32 $0x1400, s25;
	[sflag:s21] =	ssyncadd.s32 $0xFFFFC000  }
0x58: {  	[spmem:s2] =	stream.indirect.scatter.add.f32 [tilespmem:s16], [sflag:$0x3], $0x80, s24, s19, $0xb8;
	[tilespmem:$0x1E800] =	vst v63  }
0x59: {  	_ =	swait.ge [sflag:s17], $0x4000  }
0x5a: {  	[sflag:s17] =	ssyncset.done $0x0  }
0x5b: {  	[sflag:s17] =	ssyncadd.s32 $0xFFFFC000  }
0x5c: {  	_ =	swait.ge [sflag:s22], $0x4000  }
.Ltmp1:
0x5d: {  	[sflag:s22] =	ssyncset.done $0x0;
	(pc) =	sbr.rel @p0 .LBB2_4-.Ltmp1, $4  }
0x5e: {  	s24 =	sadd.s32 $0x1480, s25;
	[sflag:s22] =	ssyncadd.s32 $0xFFFFC000  }
0x5f: {  	[spmem:s2] =	stream.indirect.scatter.add.f32 [tilespmem:s20], [sflag:$0x3], $0x80, s24, s19, $0xb8;
	[tilespmem:$0x1E800] =	vst v63  }
0x60: {  	_ =	swait.ge [sflag:s17], $0x4000  }
0x61: {  	s24 =	smov.u32 s26;
	[sflag:s17] =	ssyncset.done $0x0  }
0x62: {  	s23 =	sshra.s32 s23, $0x2;
	[sflag:s17] =	ssyncadd.s32 $0xFFFFC000  }
0x63: {  	[tilespmem:s16], [sflag:$0x1] =	stream.indirect.gather [hbm4b:s4+s19], $0x80, s23, s19, $0xb8;
	[tilespmem:$0x1E800] =	vst v63  }
0x64: {  	s24 =	sadd.s32 $0x80, s23  }
0x65: {  	[tilespmem:s20], [sflag:$0x2] =	stream.indirect.gather [hbm4b:s4+s19], $0x80, s24, s19, $0xb8;
	[tilespmem:$0x1E800] =	vst v63  }
0x66: {  	_ =	swait.ge [sflag:s21], $0x4000  }
0x67: {  	[sflag:s21] =	ssyncset.done $0x0  }
0x68: {  	s25 =	sadd.s32 $0x1400, s23;
	[sflag:s21] =	ssyncadd.s32 $0xFFFFC000  }
0x69: {  	[spmem:s2] =	stream.indirect.scatter.add.f32 [tilespmem:s16], [sflag:$0x3], $0x80, s25, s19, $0xb8;
	[tilespmem:$0x1E800] =	vst v63  }
0x6a: {  	_ =	swait.ge [sflag:s17], $0x4000  }
0x6b: {  	[sflag:s17] =	ssyncset.done $0x0  }
0x6c: {  	[sflag:s17] =	ssyncadd.s32 $0xFFFFC000  }
0x6d: {  	_ =	swait.ge [sflag:s22], $0x4000  }
0x6e: {  	[sflag:s22] =	ssyncset.done $0x0  }
0x6f: {  	s23 =	sadd.s32 $0x1480, s23;
	[sflag:s22] =	ssyncadd.s32 $0xFFFFC000  }
0x70: {  	[spmem:s2] =	stream.indirect.scatter.add.f32 [tilespmem:s20], [sflag:$0x3], $0x80, s23, s19, $0xb8;
	[tilespmem:$0x1E800] =	vst v63  }
0x71: {  	_ =	swait.ge [sflag:s17], $0x4000  }
0x72: {  	[sflag:s17] =	ssyncset.done $0x0  }
0x73: {  	s26 =	simm.s32 $0x0;
	[sflag:s17] =	ssyncadd.s32 $0xFFFFC000  }
0x74: {  	[tilespmem:s26], [sflag:$0x3] =	stream.linear.gather [hbm4b:s14+s26], $0x1400, $0x38;
	[tilespmem:$0x1E800] =	vst v63  }
0x75: {  	_ =	swait.ge [sflag:s17], $0x1400  }
0x76: {  	[sflag:s17] =	ssyncset.done $0x0  }
0x77: {  	[sflag:s17] =	ssyncadd.s32 $0xFFFFEC00  }
0x78: {  	[tilespmem:s18], [sflag:$0x3] =	stream.linear.gather [hbm4b:s15+s26], $0x1400, $0x38;
	[tilespmem:$0x1E800] =	vst v63  }
0x79: {  	_ =	swait.ge [sflag:s17], $0x1400  }
0x7a: {  	[sflag:s17] =	ssyncset.done $0x0  }
0x7b: {  	s28 =	simm.s32 $0x0;
	[sflag:s17] =	ssyncadd.s32 $0xFFFFEC00  }
0x7c: {  	[tilespmem:s16], [sflag:$0x1] =	stream.indirect.gather [hbm4b:s4+s19], $0x80, s28, s19, $0xb8;
	[tilespmem:$0x1E800] =	vst v63  }
0x7d: {  	s29 =	simm.s32 $0x80  }
0x7e: {  	[tilespmem:s20], [sflag:$0x2] =	stream.indirect.gather [hbm4b:s4+s19], $0x80, s29, s19, $0xb8;
	[tilespmem:$0x1E800] =	vst v63  }
0x7f: {  	_ =	swait.ge [sflag:s21], $0x4000  }
0x80: {  	[sflag:s21] =	ssyncset.done $0x0  }
0x81: {  	s30 =	simm.s32 $0x1400;
	[sflag:s21] =	ssyncadd.s32 $0xFFFFC000  }
0x82: {  	[spmem:s2] =	stream.indirect.scatter.add.f32 [tilespmem:s16], [sflag:$0x3], $0x80, s30, s19, $0xb8;
	[tilespmem:$0x1E800] =	vst v63  }
0x83: {  	_ =	swait.ge [sflag:s17], $0x4000  }
0x84: {  	[sflag:s17] =	ssyncset.done $0x0  }
0x85: {  	[sflag:s17] =	ssyncadd.s32 $0xFFFFC000  }
0x86: {  	_ =	swait.ge [sflag:s22], $0x4000  }
0x87: {  	[sflag:s22] =	ssyncset.done $0x0  }
0x88: {  	s31 =	simm.s32 $0x1480;
	[sflag:s22] =	ssyncadd.s32 $0xFFFFC000  }
0x89: {  	[spmem:s2] =	stream.indirect.scatter.add.f32 [tilespmem:s20], [sflag:$0x3], $0x80, s31, s19, $0xb8;
	[tilespmem:$0x1E800] =	vst v63  }
0x8a: {  	_ =	swait.ge [sflag:s17], $0x4000  }
0x8b: {  	s24 =	simm.s32 $0x800;
	s23 =	simm.s32 $0x400;
	[sflag:s17] =	ssyncset.done $0x0  }
.LBB2_6:
0x8c: {  	s25 =	sshra.s32 s23, $0x2  }
0x8d: {  	[sflag:s17] =	ssyncadd.s32 $0xFFFFC000;
	s23 =	smov.u32 s24;
	s26 =	sadd.s32 $0x400, s24  }
0x8e: {  	[tilespmem:s16], [sflag:$0x1] =	stream.indirect.gather [hbm4b:s4+s19], $0x80, s25, s19, $0xb8;
	[tilespmem:$0x1E800] =	vst v63  }
0x8f: {  	p0 =	sne.s32 s24, $0x4C00;
	s24 =	sadd.s32 $0x80, s25  }
0x90: {  	[tilespmem:s20], [sflag:$0x2] =	stream.indirect.gather [hbm4b:s4+s19], $0x80, s24, s19, $0xb8;
	[tilespmem:$0x1E800] =	vst v63  }
0x91: {  	_ =	swait.ge [sflag:s21], $0x4000  }
0x92: {  	[sflag:s21] =	ssyncset.done $0x0  }
0x93: {  	s24 =	sadd.s32 $0x1400, s25;
	[sflag:s21] =	ssyncadd.s32 $0xFFFFC000  }
0x94: {  	[spmem:s2] =	stream.indirect.scatter.add.f32 [tilespmem:s16], [sflag:$0x3], $0x80, s24, s19, $0xb8;
	[tilespmem:$0x1E800] =	vst v63  }
0x95: {  	_ =	swait.ge [sflag:s17], $0x4000  }
0x96: {  	[sflag:s17] =	ssyncset.done $0x0  }
0x97: {  	[sflag:s17] =	ssyncadd.s32 $0xFFFFC000  }
0x98: {  	_ =	swait.ge [sflag:s22], $0x4000  }
.Ltmp2:
0x99: {  	[sflag:s22] =	ssyncset.done $0x0;
	(pc) =	sbr.rel @p0 .LBB2_6-.Ltmp2, $4  }
0x9a: {  	s24 =	sadd.s32 $0x1480, s25;
	[sflag:s22] =	ssyncadd.s32 $0xFFFFC000  }
0x9b: {  	[spmem:s2] =	stream.indirect.scatter.add.f32 [tilespmem:s20], [sflag:$0x3], $0x80, s24, s19, $0xb8;
	[tilespmem:$0x1E800] =	vst v63  }
0x9c: {  	_ =	swait.ge [sflag:s17], $0x4000  }
0x9d: {  	s24 =	smov.u32 s26;
	[sflag:s17] =	ssyncset.done $0x0  }
0x9e: {  	s23 =	sshra.s32 s23, $0x2;
	[sflag:s17] =	ssyncadd.s32 $0xFFFFC000  }
0x9f: {  	[tilespmem:s16], [sflag:$0x1] =	stream.indirect.gather [hbm4b:s4+s19], $0x80, s23, s19, $0xb8;
	[tilespmem:$0x1E800] =	vst v63  }
0xa0: {  	s24 =	sadd.s32 $0x80, s23  }
0xa1: {  	[tilespmem:s20], [sflag:$0x2] =	stream.indirect.gather [hbm4b:s4+s19], $0x80, s24, s19, $0xb8;
	[tilespmem:$0x1E800] =	vst v63  }
0xa2: {  	_ =	swait.ge [sflag:s21], $0x4000  }
0xa3: {  	[sflag:s21] =	ssyncset.done $0x0  }
0xa4: {  	s29 =	sadd.s32 $0x1400, s23;
	[sflag:s21] =	ssyncadd.s32 $0xFFFFC000  }
0xa5: {  	[spmem:s2] =	stream.indirect.scatter.add.f32 [tilespmem:s16], [sflag:$0x3], $0x80, s29, s19, $0xb8;
	[tilespmem:$0x1E800] =	vst v63  }
0xa6: {  	_ =	swait.ge [sflag:s17], $0x4000  }
0xa7: {  	[sflag:s17] =	ssyncset.done $0x0  }
0xa8: {  	[sflag:s17] =	ssyncadd.s32 $0xFFFFC000  }
0xa9: {  	_ =	swait.ge [sflag:s22], $0x4000  }
0xaa: {  	[sflag:s22] =	ssyncset.done $0x0  }
0xab: {  	s23 =	sadd.s32 $0x1480, s23;
	[sflag:s22] =	ssyncadd.s32 $0xFFFFC000  }
0xac: {  	[spmem:s2] =	stream.indirect.scatter.add.f32 [tilespmem:s20], [sflag:$0x3], $0x80, s23, s19, $0xb8;
	[tilespmem:$0x1E800] =	vst v63  }
0xad: {  	_ =	swait.ge [sflag:s17], $0x4000  }
0xae: {  	s30 =	sshll.u32 s0, $0x6;
	s3 =	sadd.s32 $0x1, s3;
	[sflag:s17] =	ssyncset.done $0x0  }
0xaf: {  	s31 =	sshrl.u32 s5, $0x3;
	p0 =	sne.s32 s3, s11;
	[sflag:s17] =	ssyncadd.s32 $0xFFFFC000  }
.Ltmp3:
0xb0: {  	s23 =	sor.u32 $0x1C03, s30;
	[bflag:$0x0] =	sbarrier.arrive $0xFFFF;
	(pc) =	sbr.rel @p0 .LBB2_1-.Ltmp3, $4  }
0xb1: {  	[hbm:s10], [sflag:s23] =	dma.local [spmem:s31], $0x2800  }
0xb2: {  	_ =	swait.ge [sflag:s17], $0x2800  }
0xb3: {  	[sflag:s17] =	ssyncset.done $0x0  }
0xb4: {  	[sflag:s17] =	ssyncadd.s32 $0xFFFFD800  }
0xb5: {  	_ =	sfence.sel $0x180000  }
0xb6: {  	[bflag:$0x0] =	sbarrier.arrive $0xFFFF  }
0xb7: {  	p0 =	sne.s32 s0, $0x0;
	_ =	strace $0x9000004A  }
0xb8: {  	s0 =	sadd.s32 @!p0 $0x100000, s1;
	[bflag:$0x2] =	sbarrier.arrive $0xFFFF  }
0xb9: {  	[sflag:s0] =	ssyncadd.tile.s32 @!p0 $0x1;
	_ =	shalt  }
.Lfunc_end2:
_tile_overlayer_lowered:
.L_overlay_start_2:
0xba: {  	(tag) =	ssettag $0x2  }
0xbb: {  	s0 =	rddreg [dreg:$0x0];
	s2 =	stileid.u32  }
0xbc: {  	s1 =	rddreg [dreg:$0x1];
	p0 =	sne.s32 s2, $0x0  }
0xbd: {  	s3 =	rddreg [dreg:$0x2];
	[bflag:$0x3] =	sbarrier.arrive $0xFFFF;
	s2 =	simm.s32 @!p0 $0x1C03  }
0xbe: {  	[timem:s3], [sflag:s2] =	dma.local @!p0 [hbm:s0], s1  }
0xbf: {  	s0 =	simm.s32 @!p0 $0x3  }
0xc0: {  	_ =	swait.ge @!p0 [sflag:s0], s1  }
0xc1: {  	s1 =	ssub.s32 @!p0 $0x0, s1;
	[sflag:s0] =	ssyncset.done @!p0 $0x0  }
0xc2: {  	[sflag:s0] =	ssyncadd.s32 @!p0 s1  }
0xc3: {  	[bflag:$0x3] =	sbarrier.arrive $0xFFFF  }
0xc4: {  	_ =	shalt  }

// kernel: kernel.14.cloned.1.call-start
scs
__scs_entry_jumppad:
0x0: {  	(pc) =	sbr.rel $0x88, $3  }
0x1: {  	(tag) =	ssettag $0x0;
	lr =	simm.s32 $0x1  }
0x2: {  	[smem:$0x3F9B] =	sst lr;
	_ =	strace $0xD0000000  }
0x3: {  	_ = 	snop  }
0x4: {  	_ = 	snop  }
0x5: {  	_ = 	snop  }
0x6: {  	_ = 	snop  }
0x7: {  	_ = 	snop  }
__scs_overlays_trampoline_lowered:
0x8: {  	[smem:$0x3FAA] =	sst s0  }
0x9: {  	[smem:$0x3FAB] =	sst s1  }
0xa: {  	[smem:$0x3FAC] =	sst s2  }
0xb: {  	[smem:$0x3FAD] =	sst s3  }
0xc: {  	[smem:$0x3FAE] =	sst s4  }
0xd: {  	[smem:$0x3FAF] =	sst s5  }
0xe: {  	[smem:$0x3FB0] =	sst s6  }
0xf: {  	[smem:$0x3FB1] =	sst s7  }
0x10: {  	[smem:$0x3FB2] =	sst s8  }
0x11: {  	[smem:$0x3FB3] =	sst s9;
	s0 =	simm.s32 @!p0 $0x0  }
0x12: {  	s1 =	sld [smem:$0x3F99];
	s0 =	simm.s32 @p0 $0x1  }
0x13: {  	[smem:$0x3FB4] =	sst s0;
	s0 =	simm.s32 @!p1 $0x0  }
0x14: {  	s2 =	sld [smem:$0x3F98];
	s0 =	simm.s32 @p1 $0x1  }
0x15: {  	[smem:$0x3FB5] =	sst s0;
	s0 =	simm.s32 @!p2 $0x0  }
0x16: {  	s3 =	sld [smem:$0x3FDB];
	s0 =	simm.s32 @p2 $0x1  }
0x17: {  	s4 =	simm.s32 $0x1BF5;
	[smem:$0x3FB7] =	sst s0  }
0x18: {  	s0 =	sld [smem:$0x3F9A];
	_ =	swait.ge [sflag:s4], $0x0  }
0x19: {  	s7 =	sld [smem:$0x3F9B]  }
0x1a: {  	s8 =	sadd.s32 $0xFFFFE003, lr  }
0x1b: {  	s9 =	sadd.s32 $0xFFFFFEF7, lr;
	s5 =	simm.s32 $0xFFFFFFFF;
	p2 =	slt.u32 s8, $0xFFFFF086  }
0x1c: {  	p1 =	slt.u32 s9, $0xF7A;
	s5 =	simm.s32 @!p2 $0x0  }
0x1d: {  	s5 =	simm.s32 @p1 $0x1;
	p0 =	seq.s32 s7, s2  }
0x1e: {  	s7 =	smul.u32 @!p0 $0xF7A, s2;
	p2 =	seq.s32 @!p0 s5, $0x0  }
0x1f: {  	s9 =	smul.u32 $0xF7A, s1;
	s8 =	simm.s32 @!p0 $0x1BF5;
	p2 =	por !p2, p0  }
0x20: {  	[sflag:s8] =	ssyncset.s32 @!p0 $0xFFFFF086;
	s6 =	sadd.s32 @!p0 s3, s7;
	s7 =	simm.s32 @!p0 $0x108  }
0x21: {  	s3 =	sadd.s32 s3, s9;
	s6 =	sadd.s32 @!p0 $0x88, s6;
	s7 =	simm.s32 @p2 $0x1082  }
0x22: {  	[simem:s7], [sflag:s8] =	dma.local @!p0 [hbm:s6], $0xF7A  }
0x23: {  	s9 =	sor.u32 $0xD0000000, s2;
	s6 =	simm.s32 $0x108;
	_ =	swait.ge @!p0 [sflag:s8], $0x0  }
0x24: {  	s3 =	sadd.s32 $0x88, s3;
	s6 =	simm.s32 @!p1 $0x1082;
	[sflag:s4] =	ssyncset.s32 $0xFFFFF086  }
0x25: {  	[simem:s6], [sflag:s4] =	dma.local [hbm:s3], $0xF7A  }
0x26: {  	[smem:$0x3F9B] =	sst s1;
	(tag) =	ssettag s2;
	_ =	strace s9  }
0x27: {  	s1 =	sld [smem:$0x3FAB]  }
0x28: {  	s2 =	sld [smem:$0x3FAC]  }
0x29: {  	s4 =	sld [smem:$0x3FAE]  }
0x2a: {  	p0 =	seq.s32 s5, $0x0;
	s5 =	sld [smem:$0x3FAF]  }
0x2b: {  	s6 =	sld [smem:$0x3FB0]  }
0x2c: {  	s7 =	sld [smem:$0x3FB1]  }
0x2d: {  	s3 =	simm.s32 $0x108;
	s8 =	sld [smem:$0x3FB2]  }
0x2e: {  	s3 =	simm.s32 @!p0 $0x1082;
	s9 =	sld [smem:$0x3FB3]  }
0x2f: {  	lr =	sadd.s32 s0, s3;
	s0 =	sld [smem:$0x3FAA]  }
0x30: {  	s3 =	sld [smem:$0x3FAD]  }
0x31: {  	[smem:$0x3FB6] =	sst s10  }
0x32: {  	s10 =	sld [smem:$0x3FB4];
	_ =	sdelay $0x3  }
0x33: {  	p0 =	seq.s32 s10, $0x1;
	s10 =	sld [smem:$0x3FB6];
	_ =	sdelay $0x3  }
0x34: {  	[smem:$0x3FB6] =	sst s10  }
0x35: {  	s10 =	sld [smem:$0x3FB5];
	_ =	sdelay $0x3  }
0x36: {  	p1 =	seq.s32 s10, $0x1;
	s10 =	sld [smem:$0x3FB6];
	_ =	sdelay $0x3  }
0x37: {  	[smem:$0x3FB6] =	sst s10  }
0x38: {  	s10 =	sld [smem:$0x3FB7]  }
0x39: {  	_ = 	snop;
	(pc) =	sbr.ind lr, $3  }
0x3a: {  	_ = 	snop  }
0x3b: {  	_ = 	snop  }
0x3c: {  	p2 =	seq.s32 s10, $0x1;
	s10 =	sld [smem:$0x3FB6]  }
0x3d: {  	_ =	shalt  }
0x3e: {  	_ =	shalt  }
0x3f: {  	_ =	shalt  }
0x40: {  	_ =	shalt  }
0x41: {  	_ =	shalt  }
0x42: {  	_ =	shalt  }
0x43: {  	_ =	shalt  }
0x44: {  	_ =	shalt  }
0x45: {  	_ =	shalt  }
0x46: {  	_ =	shalt  }
0x47: {  	_ =	shalt  }
0x48: {  	_ =	shalt  }
0x49: {  	_ =	shalt  }
0x4a: {  	_ =	shalt  }
0x4b: {  	_ =	shalt  }
0x4c: {  	_ =	shalt  }
0x4d: {  	_ =	shalt  }
0x4e: {  	_ =	shalt  }
0x4f: {  	_ =	shalt  }
0x50: {  	_ =	shalt  }
0x51: {  	_ =	shalt  }
0x52: {  	_ =	shalt  }
0x53: {  	_ =	shalt  }
0x54: {  	_ =	shalt  }
0x55: {  	_ =	shalt  }
0x56: {  	_ =	shalt  }
0x57: {  	_ =	shalt  }
0x58: {  	_ =	shalt  }
0x59: {  	_ =	shalt  }
0x5a: {  	_ =	shalt  }
0x5b: {  	_ =	shalt  }
0x5c: {  	_ =	shalt  }
0x5d: {  	_ =	shalt  }
0x5e: {  	_ =	shalt  }
0x5f: {  	_ =	shalt  }
0x60: {  	_ =	shalt  }
0x61: {  	_ =	shalt  }
0x62: {  	_ =	shalt  }
0x63: {  	_ =	shalt  }
0x64: {  	_ =	shalt  }
0x65: {  	_ =	shalt  }
0x66: {  	_ =	shalt  }
0x67: {  	_ =	shalt  }
0x68: {  	_ =	shalt  }
0x69: {  	_ =	shalt  }
0x6a: {  	_ =	shalt  }
0x6b: {  	_ =	shalt  }
0x6c: {  	_ =	shalt  }
0x6d: {  	_ =	shalt  }
0x6e: {  	_ =	shalt  }
0x6f: {  	_ =	shalt  }
0x70: {  	_ =	shalt  }
0x71: {  	_ =	shalt  }
0x72: {  	_ =	shalt  }
0x73: {  	_ =	shalt  }
0x74: {  	_ =	shalt  }
0x75: {  	_ =	shalt  }
0x76: {  	_ =	shalt  }
0x77: {  	_ =	shalt  }
0x78: {  	_ =	shalt  }
0x79: {  	_ =	shalt  }
0x7a: {  	_ =	shalt  }
0x7b: {  	_ =	shalt  }
0x7c: {  	_ =	shalt  }
0x7d: {  	_ =	shalt  }
0x7e: {  	_ =	shalt  }
0x7f: {  	_ =	shalt  }
0x80: {  	_ =	shalt  }
0x81: {  	_ =	shalt  }
0x82: {  	_ =	shalt  }
0x83: {  	_ =	shalt  }
0x84: {  	_ =	shalt  }
0x85: {  	_ =	shalt  }
0x86: {  	_ =	shalt  }
0x87: {  	_ =	shalt  }
.Lfunc_end0:
.L_simem_size_0:
called_computation.2_lowered:
.L_overlay_start_0:
0x88: {  	s2 =	sld [smem:$0x3FD9]  }
0x89: {  	s3 =	sld [smem:$0x3FFE];
	_ =	sdelay $0x1  }
0x8a: {  	s1 =	srdreg.scid  }
0x8b: {  	s0 =	sand.u32 $0x1, s1  }
0x8c: {  	s14 =	sshll.u32 s0, $0xA;
	s2 =	sadd.s32 s3, s2  }
0x8d: {  	s2 =	sadd.s32 s2, s14  }
0x8e: {  	[smem:$0x3FC2] =	sst s2  }
0x8f: {  	_ = 	snop  }
0x90: {  	s2 =	sld [smem:$0x3FD0];
	_ =	sdelay $0x2  }
0x91: {  	s15 =	simm.s32 $0xA;
	s4 =	simm.s32 $0x10  }
0x92: {  	[smem:s4], [sflag:s15] =	dma.local [hbm:s2], $0x1  }
0x93: {  	_ =	swait.eq [sflag:s15], $0x1  }
0x94: {  	[sflag:s15] =	ssyncset.done $0x0  }
0x95: {  	s16 =	sld [smem:$0x10];
	[sflag:s15] =	ssyncadd.s32 $0xFFFFFFFF  }
0x96: {  	s17 =	sld [smem:$0x11];
	(tm) =	ssettm $0x1  }
0x97: {  	s18 =	sld [smem:$0x3FFB];
	_ =	sdelay $0x3  }
0x98: {  	_ =	strace s18  }
0x99: {  	s4 =	sld [smem:$0x3FFC];
	_ =	sdelay $0x3  }
0x9a: {  	_ =	strace s4  }
0x9b: {  	s4 =	sld [smem:$0x3FFD];
	_ =	sdelay $0x3  }
0x9c: {  	_ =	strace s4  }
0x9d: {  	_ =	strace $0x8FFFFFFF  }
0x9e: {  	s19 =	sld [smem:$0x3FDB];
	_ =	sdelay $0x1  }
0x9f: {  	s5 =	simm.s32 $_scs_section_size  }
0xa0: {  	s6 =	simm.s32 $_size__tile_overlayer_lowered;
	s7 =	simm.s32 $_tile_overlayer_lowered  }
0xa1: {  	s22 =	simm.s32 $0x1BFF;
	s21 =	sshll.u32 s7, $0x1;
	s4 =	sadd.s32 s5, s19  }
0xa2: {  	s8 =	simm.s32 $0x0;
	s20 =	sshll.u32 s6, $0x1;
	s6 =	sadd.s32 s21, s4  }
0xa3: {  	[timem:s8], [sflag:s22] =	dma.local [hbm:s6], s20  }
0xa4: {  	_ =	swait.ge [sflag:s22], s20  }
0xa5: {  	s5 =	ssub.s32 $0x0, s20;
	[sflag:s22] =	ssyncset.done $0x0  }
0xa6: {  	[sflag:s22] =	ssyncadd.s32 s5;
	_ =	sdelay $0x1  }
0xa7: {  	s23 =	simm.s32 $0x1B8B  }
0xa8: {  	_ =	swait.ge [sflag:s23], $0x1  }
0xa9: {  	[sflag:s23] =	ssyncset.done $0x0  }
0xaa: {  	s25 =	simm.s32 $0x1B8E;
	s24 =	sld [smem:$0x3FFE];
	[sflag:s23] =	ssyncadd.s32 $0xFFFFFFFF  }
0xab: {  	s26 =	simm.s32 $execute0_lowered;
	[smem:$0x3FD2] =	sst s25  }
0xac: {  	s6 =	sshll.u32 s26, $0x1;
	_ =	strace $0x8000004C;
	[dreg:$0x1] =	wrdreg $0xFFFFFFFF  }
0xad: {  	s28 =	simm.s32 $_size_execute0_lowered;
	s4 =	sadd.s32 s4, s6;
	[dreg:$0x0] =	wrdreg $0x0  }
0xae: {  	s6 =	sshll.u32 s28, $0x1;
	[dreg:$0x2] =	wrdreg s4  }
0xaf: {  	[dreg:$0x3] =	wrdreg s6  }
0xb0: {  	[dreg:$0x4] =	wrdreg $0xC0  }
0xb1: {  	_ =	task [dreg:s8], $0x5FFFF  }
0xb2: {  	[dreg:$0x1] =	wrdreg $0xFFFFFFFF  }
0xb3: {  	[dreg:$0x0] =	wrdreg $0x60  }
0xb4: {  	[dreg:$0x2] =	wrdreg s24  }
0xb5: {  	[dreg:$0x3] =	wrdreg s17  }
0xb6: {  	[dreg:$0x4] =	wrdreg s16  }
0xb7: {  	[dreg:$0x5] =	wrdreg $0x68000  }
0xb8: {  	[dreg:$0x6] =	wrdreg $0x9  }
0xb9: {  	_ =	task.clear_ibuf [dreg:s8], $0x7FFFF;
	_ =	strace $0x9000004C  }
0xba: {  	s29 =	simm.s32 $0x9;
	_ =	strace $0x8000004E  }
0xbb: {  	_ =	swait.ge [sflag:s29], $0x1  }
0xbc: {  	[sflag:s29] =	ssyncadd.s32 $0xFFFFFFFF  }
0xbd: {  	_ =	strace $0x9000004E  }
0xbe: {  	_ =	sfence  }
0xbf: {  	s30 =	sld [smem:$0x0];
	_ =	sdelay $0x2  }
0xc0: {  	s31 =	sshll.u32 s1, $0xD;
	s1 =	sshrl.u32 s1, $0x2  }
0xc1: {  	s3 =	sand.u32 $0x4000, s31;
	s1 =	sadd.s32 s1, s30  }
0xc2: {  	s0 =	sor.u32 s3, s0;
	s1 =	sshll.u32 s1, $0x11  }
0xc3: {  	s0 =	sor.u32 s1, s0  }
0xc4: {  	s0 =	sadd.s32 $0x8F2B, s0  }
0xc5: {  	[sflag:s0] =	ssyncadd.remote.s32 $0x1  }
0xc6: {  	_ =	sfence.sel $0xFFFF  }
0xc7: {  	[dreg:$0x0] =	wrdreg $0xFFFFFFFF;
	(pc) =	sbr.abs _section_cstart, $3  }
0xc8: {  	[dreg:$0x1] =	wrdreg $0xFFFFFFFF  }
0xc9: {  	_ =	task.clear_ibuf [dreg:s8], $0x2FFFF;
	_ =	strace $0x9FFFFFFF  }
0xca: {  	(tm) =	ssettm $0x7FFFFFFF  }
0xcb: {  	_ =	shalt  }
tec
execute0_lowered:
.L_overlay_start_1:
0x0: {  	(tag) =	ssettag $0x1  }
0x1: {  	s5 =	rddreg [dreg:$0x0]  }
0x2: {  	s14 =	rddreg [dreg:$0x1]  }
0x3: {  	s1 =	srdreg.scid;
	s15 =	rddreg [dreg:$0x2]  }
0x4: {  	s0 =	stileid.u32;
	s2 =	rddreg [dreg:$0x3];
	s3 =	simm.s32 $0x0  }
0x5: {  	s17 =	simm.s32 $0x3;
	s18 =	simm.s32 $0x1400;
	s19 =	simm.s32 $0x80  }
0x6: {  	s20 =	simm.s32 $0x4800;
	s21 =	simm.s32 $0x1;
	s7 =	smul.u32 $0xA000, s0  }
0x7: {  	s6 =	sand.u32 $0x1, s1;
	s1 =	rddreg [dreg:$0x4];
	s9 =	smul.u32 $0x28000, s0  }
0x8: {  	s22 =	simm.s32 $0x2;
	[smem:$0x7FF] =	sst s3;
	s4 =	smul.u32 $0xA0000, s6  }
0x9: {  	_ =	strace $0x8000004D;
	s29 =	ssub.s32 $0x2, s6;
	s6 =	sshll.u32 s6, $0x4  }
0xa: {  	s30 =	sshrl.u32 s29, $0x1;
	s9 =	sshrl.u32 s9, $0x2;
	s31 =	sor.u32 s0, s6  }
0xb: {  	s4 =	sadd.s32 s7, s4;
	s11 =	ssub.s32 s29, s30;
	s9 =	sadd.s32 s9, s2  }
0xc: {  	s12 =	smul.u32 $0x2800, s31;
	s8 =	sshrl.u32 s4, $0x3;
	s4 =	sadd.s32 $0x2400, s5  }
0xd: {  	s6 =	sadd.s32 $0x2000, s9;
	s11 =	smax.u32 s11, $0x1;
	s10 =	sadd.s32 s8, s5  }
0xe: {  	s5 =	sadd.s32 s7, s2;
	s7 =	sadd.s32 $0x4000, s9;
	s8 =	sadd.s32 $0x6000, s9  }
0xf: {  	s9 =	sadd.s32 $0x8000, s9;
	s16 =	sshrl.u32 s12, $0x3;
	s10 =	sadd.s32 $0x16400, s10  }
0x10: {  	s12 =	sadd.s32 s14, s16;
	s13 =	sadd.s32 s15, s16;
	s16 =	sadd.s32 $0x280, s16  }
0x11: {  	v0 =	vimm.f32 $0.0e+00;
	s14 =	sadd.s32 s14, s16;
	s15 =	sadd.s32 s15, s16;
	s16 =	simm.s32 $0x2800  }
.LBB2_1:
0x12: {  	s24 =	simm.s32 $0x100;
	s23 =	simm.s32 $0x0  }
.LBB2_2:
0x13: {  	p0 =	sne.s32 s24, $0x7F00;
	[tilespmem:s23+$0x2830] =	vst v0;
	s25 =	smov.u32 s24;
	s24 =	sadd.s32 $0x100, s24  }
.Ltmp0:
0x14: {  	[tilespmem:s23+$0x2820] =	vst v0;
	(pc) =	sbr.rel @p0 .LBB2_2-.Ltmp0, $3  }
0x15: {  	[tilespmem:s23+$0x2800] =	vst v0  }
0x16: {  	[tilespmem:s23+$0x2810] =	vst v0;
	_ =	sdelay $0x1  }
0x17: {  	s23 =	sshra.s32 s25, $0x2  }
0x18: {  	[tilespmem:s23+$0x2830] =	vst v0  }
0x19: {  	[tilespmem:s23+$0x2820] =	vst v0  }
0x1a: {  	[tilespmem:s23+$0x2800] =	vst v0  }
0x1b: {  	[tilespmem:s23+$0x2810] =	vst v0  }
0x1c: {  	[spmem:s5] =	stream.linear.scatter [tilespmem:s16], [sflag:$0x3], $0x2000, $0x38;
	[tilespmem:$0x10800] =	vst v63  }
0x1d: {  	_ =	swait.ge [sflag:s17], $0x2000  }
0x1e: {  	[sflag:s17] =	ssyncset.done $0x0  }
0x1f: {  	[sflag:s17] =	ssyncadd.s32 $0xFFFFE000  }
0x20: {  	[spmem:s6] =	stream.linear.scatter [tilespmem:s16], [sflag:$0x3], $0x2000, $0x38;
	[tilespmem:$0x10800] =	vst v63  }
0x21: {  	_ =	swait.ge [sflag:s17], $0x2000  }
0x22: {  	[sflag:s17] =	ssyncset.done $0x0  }
0x23: {  	[sflag:s17] =	ssyncadd.s32 $0xFFFFE000  }
0x24: {  	[spmem:s7] =	stream.linear.scatter [tilespmem:s16], [sflag:$0x3], $0x2000, $0x38;
	[tilespmem:$0x10800] =	vst v63  }
0x25: {  	_ =	swait.ge [sflag:s17], $0x2000  }
0x26: {  	[sflag:s17] =	ssyncset.done $0x0  }
0x27: {  	[sflag:s17] =	ssyncadd.s32 $0xFFFFE000  }
0x28: {  	[spmem:s8] =	stream.linear.scatter [tilespmem:s16], [sflag:$0x3], $0x2000, $0x38;
	[tilespmem:$0x10800] =	vst v63  }
0x29: {  	_ =	swait.ge [sflag:s17], $0x2000  }
0x2a: {  	[sflag:s17] =	ssyncset.done $0x0  }
0x2b: {  	[sflag:s17] =	ssyncadd.s32 $0xFFFFE000  }
0x2c: {  	[spmem:s9] =	stream.linear.scatter [tilespmem:s16], [sflag:$0x3], $0x2000, $0x38;
	[tilespmem:$0x10800] =	vst v63  }
0x2d: {  	_ =	swait.ge [sflag:s17], $0x2000  }
0x2e: {  	[sflag:s17] =	ssyncset.done $0x0  }
0x2f: {  	[sflag:s17] =	ssyncadd.s32 $0xFFFFE000  }
0x30: {  	s26 =	simm.s32 $0x0;
	[bflag:$0x0] =	sbarrier.arrive $0xFFFF  }
0x31: {  	[tilespmem:s26], [sflag:$0x3] =	stream.linear.gather [hbm4b:s12+s26], $0x1400, $0x38;
	[tilespmem:$0x10800] =	vst v63  }
0x32: {  	_ =	swait.ge [sflag:s17], $0x1400  }
0x33: {  	[sflag:s17] =	ssyncset.done $0x0  }
0x34: {  	[sflag:s17] =	ssyncadd.s32 $0xFFFFEC00  }
0x35: {  	[tilespmem:s18], [sflag:$0x3] =	stream.linear.gather [hbm4b:s13+s26], $0x1400, $0x38;
	[tilespmem:$0x10800] =	vst v63  }
0x36: {  	_ =	swait.ge [sflag:s17], $0x1400  }
0x37: {  	[sflag:s17] =	ssyncset.done $0x0  }
0x38: {  	s28 =	simm.s32 $0x0;
	[sflag:s17] =	ssyncadd.s32 $0xFFFFEC00  }
0x39: {  	[tilespmem:s16], [sflag:$0x1] =	stream.indirect.gather [hbm4b:s4+s19], $0x40, s28, s19, $0xb8;
	[tilespmem:$0x10800] =	vst v63  }
0x3a: {  	s29 =	simm.s32 $0x80  }
0x3b: {  	[tilespmem:s20], [sflag:$0x2] =	stream.indirect.gather [hbm4b:s4+s19], $0x40, s29, s19, $0xb8;
	[tilespmem:$0x10800] =	vst v63  }
0x3c: {  	_ =	swait.ge [sflag:s21], $0x2000  }
0x3d: {  	[sflag:s21] =	ssyncset.done $0x0  }
0x3e: {  	s30 =	simm.s32 $0x1400;
	[sflag:s21] =	ssyncadd.s32 $0xFFFFE000  }
0x3f: {  	[spmem:s2] =	stream.indirect.scatter.add.f32 [tilespmem:s16], [sflag:$0x3], $0x40, s30, s19, $0xb8;
	[tilespmem:$0x10800] =	vst v63  }
0x40: {  	_ =	swait.ge [sflag:s17], $0x2000  }
0x41: {  	[sflag:s17] =	ssyncset.done $0x0  }
0x42: {  	[sflag:s17] =	ssyncadd.s32 $0xFFFFE000  }
0x43: {  	_ =	swait.ge [sflag:s22], $0x2000  }
0x44: {  	[sflag:s22] =	ssyncset.done $0x0  }
0x45: {  	s31 =	simm.s32 $0x1480;
	[sflag:s22] =	ssyncadd.s32 $0xFFFFE000  }
0x46: {  	[spmem:s2] =	stream.indirect.scatter.add.f32 [tilespmem:s20], [sflag:$0x3], $0x40, s31, s19, $0xb8;
	[tilespmem:$0x10800] =	vst v63  }
0x47: {  	_ =	swait.ge [sflag:s17], $0x2000  }
0x48: {  	s23 =	simm.s32 $0x400;
	s24 =	simm.s32 $0x800;
	[sflag:s17] =	ssyncset.done $0x0  }
.LBB2_4:
0x49: {  	s25 =	sshra.s32 s23, $0x2  }
0x4a: {  	[sflag:s17] =	ssyncadd.s32 $0xFFFFE000;
	s23 =	smov.u32 s24;
	s26 =	sadd.s32 $0x400, s24  }
0x4b: {  	[tilespmem:s16], [sflag:$0x1] =	stream.indirect.gather [hbm4b:s4+s19], $0x40, s25, s19, $0xb8;
	[tilespmem:$0x10800] =	vst v63  }
0x4c: {  	p0 =	sne.s32 s24, $0x4C00;
	s24 =	sadd.s32 $0x80, s25  }
0x4d: {  	[tilespmem:s20], [sflag:$0x2] =	stream.indirect.gather [hbm4b:s4+s19], $0x40, s24, s19, $0xb8;
	[tilespmem:$0x10800] =	vst v63  }
0x4e: {  	_ =	swait.ge [sflag:s21], $0x2000  }
0x4f: {  	[sflag:s21] =	ssyncset.done $0x0  }
0x50: {  	s24 =	sadd.s32 $0x1400, s25;
	[sflag:s21] =	ssyncadd.s32 $0xFFFFE000  }
0x51: {  	[spmem:s2] =	stream.indirect.scatter.add.f32 [tilespmem:s16], [sflag:$0x3], $0x40, s24, s19, $0xb8;
	[tilespmem:$0x10800] =	vst v63  }
0x52: {  	_ =	swait.ge [sflag:s17], $0x2000  }
0x53: {  	[sflag:s17] =	ssyncset.done $0x0  }
0x54: {  	[sflag:s17] =	ssyncadd.s32 $0xFFFFE000  }
0x55: {  	_ =	swait.ge [sflag:s22], $0x2000  }
.Ltmp1:
0x56: {  	[sflag:s22] =	ssyncset.done $0x0;
	(pc) =	sbr.rel @p0 .LBB2_4-.Ltmp1, $4  }
0x57: {  	s24 =	sadd.s32 $0x1480, s25;
	[sflag:s22] =	ssyncadd.s32 $0xFFFFE000  }
0x58: {  	[spmem:s2] =	stream.indirect.scatter.add.f32 [tilespmem:s20], [sflag:$0x3], $0x40, s24, s19, $0xb8;
	[tilespmem:$0x10800] =	vst v63  }
0x59: {  	_ =	swait.ge [sflag:s17], $0x2000  }
0x5a: {  	s24 =	smov.u32 s26;
	[sflag:s17] =	ssyncset.done $0x0  }
0x5b: {  	s23 =	sshra.s32 s23, $0x2;
	[sflag:s17] =	ssyncadd.s32 $0xFFFFE000  }
0x5c: {  	[tilespmem:s16], [sflag:$0x1] =	stream.indirect.gather [hbm4b:s4+s19], $0x40, s23, s19, $0xb8;
	[tilespmem:$0x10800] =	vst v63  }
0x5d: {  	s24 =	sadd.s32 $0x80, s23  }
0x5e: {  	[tilespmem:s20], [sflag:$0x2] =	stream.indirect.gather [hbm4b:s4+s19], $0x40, s24, s19, $0xb8;
	[tilespmem:$0x10800] =	vst v63  }
0x5f: {  	_ =	swait.ge [sflag:s21], $0x2000  }
0x60: {  	[sflag:s21] =	ssyncset.done $0x0  }
0x61: {  	s25 =	sadd.s32 $0x1400, s23;
	[sflag:s21] =	ssyncadd.s32 $0xFFFFE000  }
0x62: {  	[spmem:s2] =	stream.indirect.scatter.add.f32 [tilespmem:s16], [sflag:$0x3], $0x40, s25, s19, $0xb8;
	[tilespmem:$0x10800] =	vst v63  }
0x63: {  	_ =	swait.ge [sflag:s17], $0x2000  }
0x64: {  	[sflag:s17] =	ssyncset.done $0x0  }
0x65: {  	[sflag:s17] =	ssyncadd.s32 $0xFFFFE000  }
0x66: {  	_ =	swait.ge [sflag:s22], $0x2000  }
0x67: {  	[sflag:s22] =	ssyncset.done $0x0  }
0x68: {  	s23 =	sadd.s32 $0x1480, s23;
	[sflag:s22] =	ssyncadd.s32 $0xFFFFE000  }
0x69: {  	[spmem:s2] =	stream.indirect.scatter.add.f32 [tilespmem:s20], [sflag:$0x3], $0x40, s23, s19, $0xb8;
	[tilespmem:$0x10800] =	vst v63  }
0x6a: {  	_ =	swait.ge [sflag:s17], $0x2000  }
0x6b: {  	[sflag:s17] =	ssyncset.done $0x0  }
0x6c: {  	s26 =	simm.s32 $0x0;
	[sflag:s17] =	ssyncadd.s32 $0xFFFFE000  }
0x6d: {  	[tilespmem:s26], [sflag:$0x3] =	stream.linear.gather [hbm4b:s14+s26], $0x1400, $0x38;
	[tilespmem:$0x10800] =	vst v63  }
0x6e: {  	_ =	swait.ge [sflag:s17], $0x1400  }
0x6f: {  	[sflag:s17] =	ssyncset.done $0x0  }
0x70: {  	[sflag:s17] =	ssyncadd.s32 $0xFFFFEC00  }
0x71: {  	[tilespmem:s18], [sflag:$0x3] =	stream.linear.gather [hbm4b:s15+s26], $0x1400, $0x38;
	[tilespmem:$0x10800] =	vst v63  }
0x72: {  	_ =	swait.ge [sflag:s17], $0x1400  }
0x73: {  	[sflag:s17] =	ssyncset.done $0x0  }
0x74: {  	s28 =	simm.s32 $0x0;
	[sflag:s17] =	ssyncadd.s32 $0xFFFFEC00  }
0x75: {  	[tilespmem:s16], [sflag:$0x1] =	stream.indirect.gather [hbm4b:s4+s19], $0x40, s28, s19, $0xb8;
	[tilespmem:$0x10800] =	vst v63  }
0x76: {  	s29 =	simm.s32 $0x80  }
0x77: {  	[tilespmem:s20], [sflag:$0x2] =	stream.indirect.gather [hbm4b:s4+s19], $0x40, s29, s19, $0xb8;
	[tilespmem:$0x10800] =	vst v63  }
0x78: {  	_ =	swait.ge [sflag:s21], $0x2000  }
0x79: {  	[sflag:s21] =	ssyncset.done $0x0  }
0x7a: {  	s30 =	simm.s32 $0x1400;
	[sflag:s21] =	ssyncadd.s32 $0xFFFFE000  }
0x7b: {  	[spmem:s2] =	stream.indirect.scatter.add.f32 [tilespmem:s16], [sflag:$0x3], $0x40, s30, s19, $0xb8;
	[tilespmem:$0x10800] =	vst v63  }
0x7c: {  	_ =	swait.ge [sflag:s17], $0x2000  }
0x7d: {  	[sflag:s17] =	ssyncset.done $0x0  }
0x7e: {  	[sflag:s17] =	ssyncadd.s32 $0xFFFFE000  }
0x7f: {  	_ =	swait.ge [sflag:s22], $0x2000  }
0x80: {  	[sflag:s22] =	ssyncset.done $0x0  }
0x81: {  	s31 =	simm.s32 $0x1480;
	[sflag:s22] =	ssyncadd.s32 $0xFFFFE000  }
0x82: {  	[spmem:s2] =	stream.indirect.scatter.add.f32 [tilespmem:s20], [sflag:$0x3], $0x40, s31, s19, $0xb8;
	[tilespmem:$0x10800] =	vst v63  }
0x83: {  	_ =	swait.ge [sflag:s17], $0x2000  }
0x84: {  	s24 =	simm.s32 $0x800;
	s23 =	simm.s32 $0x400;
	[sflag:s17] =	ssyncset.done $0x0  }
.LBB2_6:
0x85: {  	s25 =	sshra.s32 s23, $0x2  }
0x86: {  	[sflag:s17] =	ssyncadd.s32 $0xFFFFE000;
	s23 =	smov.u32 s24;
	s26 =	sadd.s32 $0x400, s24  }
0x87: {  	[tilespmem:s16], [sflag:$0x1] =	stream.indirect.gather [hbm4b:s4+s19], $0x40, s25, s19, $0xb8;
	[tilespmem:$0x10800] =	vst v63  }
0x88: {  	p0 =	sne.s32 s24, $0x4C00;
	s24 =	sadd.s32 $0x80, s25  }
0x89: {  	[tilespmem:s20], [sflag:$0x2] =	stream.indirect.gather [hbm4b:s4+s19], $0x40, s24, s19, $0xb8;
	[tilespmem:$0x10800] =	vst v63  }
0x8a: {  	_ =	swait.ge [sflag:s21], $0x2000  }
0x8b: {  	[sflag:s21] =	ssyncset.done $0x0  }
0x8c: {  	s24 =	sadd.s32 $0x1400, s25;
	[sflag:s21] =	ssyncadd.s32 $0xFFFFE000  }
0x8d: {  	[spmem:s2] =	stream.indirect.scatter.add.f32 [tilespmem:s16], [sflag:$0x3], $0x40, s24, s19, $0xb8;
	[tilespmem:$0x10800] =	vst v63  }
0x8e: {  	_ =	swait.ge [sflag:s17], $0x2000  }
0x8f: {  	[sflag:s17] =	ssyncset.done $0x0  }
0x90: {  	[sflag:s17] =	ssyncadd.s32 $0xFFFFE000  }
0x91: {  	_ =	swait.ge [sflag:s22], $0x2000  }
.Ltmp2:
0x92: {  	[sflag:s22] =	ssyncset.done $0x0;
	(pc) =	sbr.rel @p0 .LBB2_6-.Ltmp2, $4  }
0x93: {  	s24 =	sadd.s32 $0x1480, s25;
	[sflag:s22] =	ssyncadd.s32 $0xFFFFE000  }
0x94: {  	[spmem:s2] =	stream.indirect.scatter.add.f32 [tilespmem:s20], [sflag:$0x3], $0x40, s24, s19, $0xb8;
	[tilespmem:$0x10800] =	vst v63  }
0x95: {  	_ =	swait.ge [sflag:s17], $0x2000  }
0x96: {  	s24 =	smov.u32 s26;
	[sflag:s17] =	ssyncset.done $0x0  }
0x97: {  	s23 =	sshra.s32 s23, $0x2;
	[sflag:s17] =	ssyncadd.s32 $0xFFFFE000  }
0x98: {  	[tilespmem:s16], [sflag:$0x1] =	stream.indirect.gather [hbm4b:s4+s19], $0x40, s23, s19, $0xb8;
	[tilespmem:$0x10800] =	vst v63  }
0x99: {  	s24 =	sadd.s32 $0x80, s23  }
0x9a: {  	[tilespmem:s20], [sflag:$0x2] =	stream.indirect.gather [hbm4b:s4+s19], $0x40, s24, s19, $0xb8;
	[tilespmem:$0x10800] =	vst v63  }
0x9b: {  	_ =	swait.ge [sflag:s21], $0x2000  }
0x9c: {  	[sflag:s21] =	ssyncset.done $0x0  }
0x9d: {  	s29 =	sadd.s32 $0x1400, s23;
	[sflag:s21] =	ssyncadd.s32 $0xFFFFE000  }
0x9e: {  	[spmem:s2] =	stream.indirect.scatter.add.f32 [tilespmem:s16], [sflag:$0x3], $0x40, s29, s19, $0xb8;
	[tilespmem:$0x10800] =	vst v63  }
0x9f: {  	_ =	swait.ge [sflag:s17], $0x2000  }
0xa0: {  	[sflag:s17] =	ssyncset.done $0x0  }
0xa1: {  	[sflag:s17] =	ssyncadd.s32 $0xFFFFE000  }
0xa2: {  	_ =	swait.ge [sflag:s22], $0x2000  }
0xa3: {  	[sflag:s22] =	ssyncset.done $0x0  }
0xa4: {  	s23 =	sadd.s32 $0x1480, s23;
	[sflag:s22] =	ssyncadd.s32 $0xFFFFE000  }
0xa5: {  	[spmem:s2] =	stream.indirect.scatter.add.f32 [tilespmem:s20], [sflag:$0x3], $0x40, s23, s19, $0xb8;
	[tilespmem:$0x10800] =	vst v63  }
0xa6: {  	_ =	swait.ge [sflag:s17], $0x2000  }
0xa7: {  	s30 =	sshll.u32 s0, $0x6;
	s3 =	sadd.s32 $0x1, s3;
	[sflag:s17] =	ssyncset.done $0x0  }
0xa8: {  	s31 =	sshrl.u32 s5, $0x3;
	p0 =	sne.s32 s3, s11;
	[sflag:s17] =	ssyncadd.s32 $0xFFFFE000  }
.Ltmp3:
0xa9: {  	s23 =	sor.u32 $0x1C03, s30;
	[bflag:$0x0] =	sbarrier.arrive $0xFFFF;
	(pc) =	sbr.rel @p0 .LBB2_1-.Ltmp3, $4  }
0xaa: {  	[hbm:s10], [sflag:s23] =	dma.local [spmem:s31], $0x1400  }
0xab: {  	_ =	swait.ge [sflag:s17], $0x1400  }
0xac: {  	[sflag:s17] =	ssyncset.done $0x0  }
0xad: {  	[sflag:s17] =	ssyncadd.s32 $0xFFFFEC00  }
0xae: {  	_ =	sfence.sel $0x180000  }
0xaf: {  	[bflag:$0x0] =	sbarrier.arrive $0xFFFF  }
0xb0: {  	p0 =	sne.s32 s0, $0x0;
	_ =	strace $0x9000004D  }
0xb1: {  	s0 =	sadd.s32 @!p0 $0x100000, s1;
	[bflag:$0x2] =	sbarrier.arrive $0xFFFF  }
0xb2: {  	[sflag:s0] =	ssyncadd.tile.s32 @!p0 $0x1;
	_ =	shalt  }
.Lfunc_end2:
_tile_overlayer_lowered:
.L_overlay_start_2:
0xb3: {  	(tag) =	ssettag $0x2  }
0xb4: {  	s0 =	rddreg [dreg:$0x0];
	s2 =	stileid.u32  }
0xb5: {  	s1 =	rddreg [dreg:$0x1];
	p0 =	sne.s32 s2, $0x0  }
0xb6: {  	s3 =	rddreg [dreg:$0x2];
	[bflag:$0x3] =	sbarrier.arrive $0xFFFF;
	s2 =	simm.s32 @!p0 $0x1C03  }
0xb7: {  	[timem:s3], [sflag:s2] =	dma.local @!p0 [hbm:s0], s1  }
0xb8: {  	s0 =	simm.s32 @!p0 $0x3  }
0xb9: {  	_ =	swait.ge @!p0 [sflag:s0], s1  }
0xba: {  	s1 =	ssub.s32 @!p0 $0x0, s1;
	[sflag:s0] =	ssyncset.done @!p0 $0x0  }
0xbb: {  	[sflag:s0] =	ssyncadd.s32 @!p0 s1  }
0xbc: {  	[bflag:$0x3] =	sbarrier.arrive $0xFFFF  }
0xbd: {  	_ =	shalt  }

// kernel: kernel.8.cloned.1.call-start
scs
__scs_entry_jumppad:
0x0: {  	(pc) =	sbr.rel $0x88, $3  }
0x1: {  	(tag) =	ssettag $0x0;
	lr =	simm.s32 $0x1  }
0x2: {  	[smem:$0x3F9B] =	sst lr;
	_ =	strace $0xD0000000  }
0x3: {  	_ = 	snop  }
0x4: {  	_ = 	snop  }
0x5: {  	_ = 	snop  }
0x6: {  	_ = 	snop  }
0x7: {  	_ = 	snop  }
__scs_overlays_trampoline_lowered:
0x8: {  	[smem:$0x3FAA] =	sst s0  }
0x9: {  	[smem:$0x3FAB] =	sst s1  }
0xa: {  	[smem:$0x3FAC] =	sst s2  }
0xb: {  	[smem:$0x3FAD] =	sst s3  }
0xc: {  	[smem:$0x3FAE] =	sst s4  }
0xd: {  	[smem:$0x3FAF] =	sst s5  }
0xe: {  	[smem:$0x3FB0] =	sst s6  }
0xf: {  	[smem:$0x3FB1] =	sst s7  }
0x10: {  	[smem:$0x3FB2] =	sst s8  }
0x11: {  	[smem:$0x3FB3] =	sst s9;
	s0 =	simm.s32 @!p0 $0x0  }
0x12: {  	s1 =	sld [smem:$0x3F99];
	s0 =	simm.s32 @p0 $0x1  }
0x13: {  	[smem:$0x3FB4] =	sst s0;
	s0 =	simm.s32 @!p1 $0x0  }
0x14: {  	s2 =	sld [smem:$0x3F98];
	s0 =	simm.s32 @p1 $0x1  }
0x15: {  	[smem:$0x3FB5] =	sst s0;
	s0 =	simm.s32 @!p2 $0x0  }
0x16: {  	s3 =	sld [smem:$0x3FDB];
	s0 =	simm.s32 @p2 $0x1  }
0x17: {  	s4 =	simm.s32 $0x1BF5;
	[smem:$0x3FB7] =	sst s0  }
0x18: {  	s0 =	sld [smem:$0x3F9A];
	_ =	swait.ge [sflag:s4], $0x0  }
0x19: {  	s7 =	sld [smem:$0x3F9B]  }
0x1a: {  	s8 =	sadd.s32 $0xFFFFE003, lr  }
0x1b: {  	s9 =	sadd.s32 $0xFFFFFEF7, lr;
	s5 =	simm.s32 $0xFFFFFFFF;
	p2 =	slt.u32 s8, $0xFFFFF086  }
0x1c: {  	p1 =	slt.u32 s9, $0xF7A;
	s5 =	simm.s32 @!p2 $0x0  }
0x1d: {  	s5 =	simm.s32 @p1 $0x1;
	p0 =	seq.s32 s7, s2  }
0x1e: {  	s7 =	smul.u32 @!p0 $0xF7A, s2;
	p2 =	seq.s32 @!p0 s5, $0x0  }
0x1f: {  	s9 =	smul.u32 $0xF7A, s1;
	s8 =	simm.s32 @!p0 $0x1BF5;
	p2 =	por !p2, p0  }
0x20: {  	[sflag:s8] =	ssyncset.s32 @!p0 $0xFFFFF086;
	s6 =	sadd.s32 @!p0 s3, s7;
	s7 =	simm.s32 @!p0 $0x108  }
0x21: {  	s3 =	sadd.s32 s3, s9;
	s6 =	sadd.s32 @!p0 $0x88, s6;
	s7 =	simm.s32 @p2 $0x1082  }
0x22: {  	[simem:s7], [sflag:s8] =	dma.local @!p0 [hbm:s6], $0xF7A  }
0x23: {  	s9 =	sor.u32 $0xD0000000, s2;
	s6 =	simm.s32 $0x108;
	_ =	swait.ge @!p0 [sflag:s8], $0x0  }
0x24: {  	s3 =	sadd.s32 $0x88, s3;
	s6 =	simm.s32 @!p1 $0x1082;
	[sflag:s4] =	ssyncset.s32 $0xFFFFF086  }
0x25: {  	[simem:s6], [sflag:s4] =	dma.local [hbm:s3], $0xF7A  }
0x26: {  	[smem:$0x3F9B] =	sst s1;
	(tag) =	ssettag s2;
	_ =	strace s9  }
0x27: {  	s1 =	sld [smem:$0x3FAB]  }
0x28: {  	s2 =	sld [smem:$0x3FAC]  }
0x29: {  	s4 =	sld [smem:$0x3FAE]  }
0x2a: {  	p0 =	seq.s32 s5, $0x0;
	s5 =	sld [smem:$0x3FAF]  }
0x2b: {  	s6 =	sld [smem:$0x3FB0]  }
0x2c: {  	s7 =	sld [smem:$0x3FB1]  }
0x2d: {  	s3 =	simm.s32 $0x108;
	s8 =	sld [smem:$0x3FB2]  }
0x2e: {  	s3 =	simm.s32 @!p0 $0x1082;
	s9 =	sld [smem:$0x3FB3]  }
0x2f: {  	lr =	sadd.s32 s0, s3;
	s0 =	sld [smem:$0x3FAA]  }
0x30: {  	s3 =	sld [smem:$0x3FAD]  }
0x31: {  	[smem:$0x3FB6] =	sst s10  }
0x32: {  	s10 =	sld [smem:$0x3FB4];
	_ =	sdelay $0x3  }
0x33: {  	p0 =	seq.s32 s10, $0x1;
	s10 =	sld [smem:$0x3FB6];
	_ =	sdelay $0x3  }
0x34: {  	[smem:$0x3FB6] =	sst s10  }
0x35: {  	s10 =	sld [smem:$0x3FB5];
	_ =	sdelay $0x3  }
0x36: {  	p1 =	seq.s32 s10, $0x1;
	s10 =	sld [smem:$0x3FB6];
	_ =	sdelay $0x3  }
0x37: {  	[smem:$0x3FB6] =	sst s10  }
0x38: {  	s10 =	sld [smem:$0x3FB7]  }
0x39: {  	_ = 	snop;
	(pc) =	sbr.ind lr, $3  }
0x3a: {  	_ = 	snop  }
0x3b: {  	_ = 	snop  }
0x3c: {  	p2 =	seq.s32 s10, $0x1;
	s10 =	sld [smem:$0x3FB6]  }
0x3d: {  	_ =	shalt  }
0x3e: {  	_ =	shalt  }
0x3f: {  	_ =	shalt  }
0x40: {  	_ =	shalt  }
0x41: {  	_ =	shalt  }
0x42: {  	_ =	shalt  }
0x43: {  	_ =	shalt  }
0x44: {  	_ =	shalt  }
0x45: {  	_ =	shalt  }
0x46: {  	_ =	shalt  }
0x47: {  	_ =	shalt  }
0x48: {  	_ =	shalt  }
0x49: {  	_ =	shalt  }
0x4a: {  	_ =	shalt  }
0x4b: {  	_ =	shalt  }
0x4c: {  	_ =	shalt  }
0x4d: {  	_ =	shalt  }
0x4e: {  	_ =	shalt  }
0x4f: {  	_ =	shalt  }
0x50: {  	_ =	shalt  }
0x51: {  	_ =	shalt  }
0x52: {  	_ =	shalt  }
0x53: {  	_ =	shalt  }
0x54: {  	_ =	shalt  }
0x55: {  	_ =	shalt  }
0x56: {  	_ =	shalt  }
0x57: {  	_ =	shalt  }
0x58: {  	_ =	shalt  }
0x59: {  	_ =	shalt  }
0x5a: {  	_ =	shalt  }
0x5b: {  	_ =	shalt  }
0x5c: {  	_ =	shalt  }
0x5d: {  	_ =	shalt  }
0x5e: {  	_ =	shalt  }
0x5f: {  	_ =	shalt  }
0x60: {  	_ =	shalt  }
0x61: {  	_ =	shalt  }
0x62: {  	_ =	shalt  }
0x63: {  	_ =	shalt  }
0x64: {  	_ =	shalt  }
0x65: {  	_ =	shalt  }
0x66: {  	_ =	shalt  }
0x67: {  	_ =	shalt  }
0x68: {  	_ =	shalt  }
0x69: {  	_ =	shalt  }
0x6a: {  	_ =	shalt  }
0x6b: {  	_ =	shalt  }
0x6c: {  	_ =	shalt  }
0x6d: {  	_ =	shalt  }
0x6e: {  	_ =	shalt  }
0x6f: {  	_ =	shalt  }
0x70: {  	_ =	shalt  }
0x71: {  	_ =	shalt  }
0x72: {  	_ =	shalt  }
0x73: {  	_ =	shalt  }
0x74: {  	_ =	shalt  }
0x75: {  	_ =	shalt  }
0x76: {  	_ =	shalt  }
0x77: {  	_ =	shalt  }
0x78: {  	_ =	shalt  }
0x79: {  	_ =	shalt  }
0x7a: {  	_ =	shalt  }
0x7b: {  	_ =	shalt  }
0x7c: {  	_ =	shalt  }
0x7d: {  	_ =	shalt  }
0x7e: {  	_ =	shalt  }
0x7f: {  	_ =	shalt  }
0x80: {  	_ =	shalt  }
0x81: {  	_ =	shalt  }
0x82: {  	_ =	shalt  }
0x83: {  	_ =	shalt  }
0x84: {  	_ =	shalt  }
0x85: {  	_ =	shalt  }
0x86: {  	_ =	shalt  }
0x87: {  	_ =	shalt  }
.Lfunc_end0:
.L_simem_size_0:
called_computation_lowered:
.L_overlay_start_0:
0x88: {  	s2 =	sld [smem:$0x3FD9]  }
0x89: {  	s3 =	sld [smem:$0x3FFE];
	_ =	sdelay $0x1  }
0x8a: {  	s1 =	srdreg.scid  }
0x8b: {  	s0 =	sand.u32 $0x1, s1  }
0x8c: {  	s14 =	sshll.u32 s0, $0xA;
	s2 =	sadd.s32 s3, s2  }
0x8d: {  	s2 =	sadd.s32 s2, s14  }
0x8e: {  	[smem:$0x3FC2] =	sst s2  }
0x8f: {  	_ = 	snop  }
0x90: {  	s2 =	sld [smem:$0x3FD0];
	_ =	sdelay $0x2  }
0x91: {  	s15 =	simm.s32 $0xA;
	s4 =	simm.s32 $0x10  }
0x92: {  	[smem:s4], [sflag:s15] =	dma.local [hbm:s2], $0x1  }
0x93: {  	_ =	swait.eq [sflag:s15], $0x1  }
0x94: {  	[sflag:s15] =	ssyncset.done $0x0  }
0x95: {  	[sflag:s15] =	ssyncadd.s32 $0xFFFFFFFF  }
0x96: {  	s16 =	sld [smem:$0x10];
	(tm) =	ssettm $0x1  }
0x97: {  	s17 =	sld [smem:$0x3FFB];
	_ =	sdelay $0x3  }
0x98: {  	_ =	strace s17  }
0x99: {  	s3 =	sld [smem:$0x3FFC];
	_ =	sdelay $0x3  }
0x9a: {  	_ =	strace s3  }
0x9b: {  	s3 =	sld [smem:$0x3FFD];
	_ =	sdelay $0x3  }
0x9c: {  	_ =	strace s3  }
0x9d: {  	_ =	strace $0x8FFFFFFF  }
0x9e: {  	s18 =	sld [smem:$0x3FDB];
	_ =	sdelay $0x1  }
0x9f: {  	s19 =	simm.s32 $_scs_section_size  }
0xa0: {  	s5 =	simm.s32 $_size__tile_overlayer_lowered;
	s6 =	simm.s32 $_tile_overlayer_lowered  }
0xa1: {  	s22 =	simm.s32 $0x1BFF;
	s21 =	sshll.u32 s6, $0x1;
	s3 =	sadd.s32 s19, s18  }
0xa2: {  	s7 =	simm.s32 $0x0;
	s20 =	sshll.u32 s5, $0x1;
	s5 =	sadd.s32 s21, s3  }
0xa3: {  	[timem:s7], [sflag:s22] =	dma.local [hbm:s5], s20  }
0xa4: {  	_ =	swait.ge [sflag:s22], s20  }
0xa5: {  	s4 =	ssub.s32 $0x0, s20;
	[sflag:s22] =	ssyncset.done $0x0  }
0xa6: {  	[sflag:s22] =	ssyncadd.s32 s4;
	_ =	sdelay $0x1  }
0xa7: {  	s23 =	simm.s32 $0x1B8B  }
0xa8: {  	_ =	swait.ge [sflag:s23], $0x1  }
0xa9: {  	[sflag:s23] =	ssyncset.done $0x0  }
0xaa: {  	s25 =	simm.s32 $0x1B8E;
	s24 =	sld [smem:$0x3FFE];
	[sflag:s23] =	ssyncadd.s32 $0xFFFFFFFF  }
0xab: {  	s26 =	simm.s32 $execute0_lowered;
	[smem:$0x3FD2] =	sst s25  }
0xac: {  	s5 =	sshll.u32 s26, $0x1;
	_ =	strace $0x80000046;
	[dreg:$0x1] =	wrdreg $0xFFFFFFFF  }
0xad: {  	s28 =	simm.s32 $_size_execute0_lowered;
	s3 =	sadd.s32 s3, s5;
	[dreg:$0x0] =	wrdreg $0x0  }
0xae: {  	s5 =	sshll.u32 s28, $0x1;
	[dreg:$0x2] =	wrdreg s3  }
0xaf: {  	[dreg:$0x3] =	wrdreg s5  }
0xb0: {  	[dreg:$0x4] =	wrdreg $0xC0  }
0xb1: {  	_ =	task [dreg:s7], $0x5FFFF  }
0xb2: {  	[dreg:$0x1] =	wrdreg $0xFFFFFFFF  }
0xb3: {  	[dreg:$0x0] =	wrdreg $0x60  }
0xb4: {  	[dreg:$0x2] =	wrdreg s16  }
0xb5: {  	[dreg:$0x3] =	wrdreg s24  }
0xb6: {  	[dreg:$0x4] =	wrdreg $0xA8000  }
0xb7: {  	[dreg:$0x5] =	wrdreg $0x9  }
0xb8: {  	_ =	task.clear_ibuf [dreg:s7], $0x6FFFF;
	_ =	strace $0x90000046  }
0xb9: {  	s29 =	simm.s32 $0x9;
	_ =	strace $0x80000048  }
0xba: {  	_ =	swait.ge [sflag:s29], $0x1  }
0xbb: {  	[sflag:s29] =	ssyncadd.s32 $0xFFFFFFFF  }
0xbc: {  	_ =	strace $0x90000048  }
0xbd: {  	_ =	sfence  }
0xbe: {  	s30 =	sld [smem:$0x0];
	_ =	sdelay $0x2  }
0xbf: {  	s31 =	sshll.u32 s1, $0xD;
	s1 =	sshrl.u32 s1, $0x2  }
0xc0: {  	s3 =	sand.u32 $0x4000, s31;
	s1 =	sadd.s32 s1, s30  }
0xc1: {  	s0 =	sor.u32 s3, s0;
	s1 =	sshll.u32 s1, $0x11  }
0xc2: {  	s0 =	sor.u32 s1, s0  }
0xc3: {  	s0 =	sadd.s32 $0x8F2B, s0  }
0xc4: {  	[sflag:s0] =	ssyncadd.remote.s32 $0x1  }
0xc5: {  	_ =	sfence.sel $0xFFFF  }
0xc6: {  	[dreg:$0x0] =	wrdreg $0xFFFFFFFF;
	(pc) =	sbr.abs _section_cstart, $3  }
0xc7: {  	[dreg:$0x1] =	wrdreg $0xFFFFFFFF  }
0xc8: {  	_ =	task.clear_ibuf [dreg:s7], $0x2FFFF;
	_ =	strace $0x9FFFFFFF  }
0xc9: {  	(tm) =	ssettm $0x7FFFFFFF  }
tec
execute0_lowered:
.L_overlay_start_1:
0x0: {  	(tag) =	ssettag $0x1  }
0x1: {  	s5 =	rddreg [dreg:$0x0]  }
0x2: {  	s4 =	rddreg [dreg:$0x1]  }
0x3: {  	s1 =	rddreg [dreg:$0x2]  }
0x4: {  	s2 =	srdreg.scid;
	s0 =	rddreg [dreg:$0x3];
	s3 =	simm.s32 $0x0  }
0x5: {  	s13 =	simm.s32 $0x2800;
	s14 =	simm.s32 $0x80;
	s6 =	sand.u32 $0x1, s2  }
0x6: {  	s15 =	simm.s32 $0x6800;
	s2 =	stileid.u32;
	s7 =	smul.u32 $0x140000, s6  }
0x7: {  	s18 =	simm.s32 $0x0;
	[smem:$0x7FF] =	sst s3;
	s8 =	smul.u32 $0x14000, s2  }
0x8: {  	_ =	strace $0x80000047;
	s31 =	sshll.u32 s6, $0x4;
	s6 =	ssub.s32 $0x2, s6  }
0x9: {  	s9 =	smul.u32 $0x50000, s2;
	s16 =	sshll.u32 s2, $0x6;
	s10 =	sshrl.u32 s6, $0x1  }
0xa: {  	s16 =	sor.u32 $0x1C01, s16;
	s7 =	sadd.s32 s8, s7;
	s8 =	sor.u32 s2, s31  }
0xb: {  	s9 =	sshrl.u32 s9, $0x2;
	s7 =	sshrl.u32 s7, $0x3;
	s8 =	smul.u32 $0x500, s8  }
0xc: {  	s12 =	ssub.s32 s6, s10;
	s11 =	sadd.s32 s7, s4;
	s4 =	sadd.s32 s9, s1  }
0xd: {  	s5 =	sadd.s32 s5, s8;
	s6 =	sadd.s32 $0x4000, s4;
	s7 =	sadd.s32 $0x8000, s4  }
0xe: {  	s8 =	sadd.s32 $0xC000, s4;
	s9 =	sadd.s32 $0x10000, s4;
	s10 =	sadd.s32 $0x2400, s11  }
0xf: {  	v0 =	vimm.f32 $0.0e+00;
	v1 =	vimm.f32 $1.000000000e+00;
	s11 =	smax.u32 s12, $0x1;
	s12 =	simm.s32 $0x1;
	s17 =	sshrl.u32 s4, $0x3  }
.LBB2_1:
0x10: {  	[tilespmem:s3], [sflag:$0x1] =	stream.linear.gather [hbm4b:s5+s3], $0x2800, $0x38;
	[tilespmem:$0xD000] =	vst v63  }
0x11: {  	_ =	swait.ge [sflag:s12], $0x2800  }
0x12: {  	[sflag:s12] =	ssyncset.done $0x0  }
0x13: {  	s19 =	simm.s32 $0x200;
	s20 =	simm.s32 $0x0;
	[sflag:s12] =	ssyncadd.s32 $0xFFFFD800  }
.LBB2_2:
0x14: {  	p0 =	sne.s32 s19, $0xFE00;
	[tilespmem:s20+$0x2800] =	vst v0;
	s21 =	smov.u32 s19;
	s19 =	sadd.s32 $0x200, s19  }
.Ltmp0:
0x15: {  	[tilespmem:s20+$0x6800] =	vst v1;
	(pc) =	sbr.rel @p0 .LBB2_2-.Ltmp0, $2  }
0x16: {  	_ =	sdelay $0x2  }
0x17: {  	s20 =	sshra.s32 s21, $0x2  }
0x18: {  	[tilespmem:s20+$0x2800] =	vst v0  }
0x19: {  	[tilespmem:s20+$0x6800] =	vst v1  }
0x1a: {  	[spmem:s4] =	stream.linear.scatter [tilespmem:s13], [sflag:$0x1], $0x4000, $0x38;
	[tilespmem:$0xD000] =	vst v63  }
0x1b: {  	_ =	swait.ge [sflag:s12], $0x4000  }
0x1c: {  	[sflag:s12] =	ssyncset.done $0x0  }
0x1d: {  	[sflag:s12] =	ssyncadd.s32 $0xFFFFC000  }
0x1e: {  	[spmem:s6] =	stream.linear.scatter [tilespmem:s13], [sflag:$0x1], $0x4000, $0x38;
	[tilespmem:$0xD000] =	vst v63  }
0x1f: {  	_ =	swait.ge [sflag:s12], $0x4000  }
0x20: {  	[sflag:s12] =	ssyncset.done $0x0  }
0x21: {  	[sflag:s12] =	ssyncadd.s32 $0xFFFFC000  }
0x22: {  	[spmem:s7] =	stream.linear.scatter [tilespmem:s13], [sflag:$0x1], $0x4000, $0x38;
	[tilespmem:$0xD000] =	vst v63  }
0x23: {  	_ =	swait.ge [sflag:s12], $0x4000  }
0x24: {  	[sflag:s12] =	ssyncset.done $0x0  }
0x25: {  	[sflag:s12] =	ssyncadd.s32 $0xFFFFC000  }
0x26: {  	[spmem:s8] =	stream.linear.scatter [tilespmem:s13], [sflag:$0x1], $0x4000, $0x38;
	[tilespmem:$0xD000] =	vst v63  }
0x27: {  	_ =	swait.ge [sflag:s12], $0x4000  }
0x28: {  	[sflag:s12] =	ssyncset.done $0x0  }
0x29: {  	[sflag:s12] =	ssyncadd.s32 $0xFFFFC000  }
0x2a: {  	[spmem:s9] =	stream.linear.scatter [tilespmem:s13], [sflag:$0x1], $0x4000, $0x38;
	[tilespmem:$0xD000] =	vst v63  }
0x2b: {  	_ =	swait.ge [sflag:s12], $0x4000  }
0x2c: {  	[sflag:s12] =	ssyncset.done $0x0  }
0x2d: {  	[sflag:s12] =	ssyncadd.s32 $0xFFFFC000  }
0x2e: {  	s19 =	simm.s32 $0x0;
	[bflag:$0x0] =	sbarrier.arrive $0xFFFF  }
0x2f: {  	[spmem:s1] =	stream.indirect.scatter.add.f32 [tilespmem:s15], [sflag:$0x1], $0x10, s19, s14, $0xb8;
	[tilespmem:$0xD000] =	vst v63  }
0x30: {  	_ =	swait.ge [sflag:s12], $0x800  }
0x31: {  	s19 =	simm.s32 $0x200;
	[sflag:s12] =	ssyncset.done $0x0  }
.LBB2_4:
0x32: {  	s20 =	sshra.s32 s19, $0x2;
	[sflag:s12] =	ssyncadd.s32 $0xFFFFF800;
	p0 =	sne.s32 s19, $0x9E00  }
0x33: {  	[spmem:s1] =	stream.indirect.scatter.add.f32 [tilespmem:s15], [sflag:$0x1], $0x10, s20, s14, $0xb8;
	[tilespmem:$0xD000] =	vst v63  }
.Ltmp1:
0x34: {  	_ = 	snop;
	(pc) =	sbr.rel @p0 .LBB2_4-.Ltmp1, $4  }
0x35: {  	_ = 	snop  }
0x36: {  	s19 =	sadd.s32 $0x200, s19  }
0x37: {  	_ =	swait.ge [sflag:s12], $0x800  }
0x38: {  	[sflag:s12] =	ssyncset.done $0x0  }
0x39: {  	s18 =	sadd.s32 $0x1, s18  }
0x3a: {  	[sflag:s12] =	ssyncadd.s32 $0xFFFFF800;
	p0 =	sne.s32 s18, s11  }
.Ltmp2:
0x3b: {  	[bflag:$0x0] =	sbarrier.arrive $0xFFFF;
	(pc) =	sbr.rel @p0 .LBB2_1-.Ltmp2, $4  }
0x3c: {  	[hbm:s10], [sflag:s16] =	dma.local [spmem:s17], $0x2800  }
0x3d: {  	_ =	swait.ge [sflag:s12], $0x2800  }
0x3e: {  	[sflag:s12] =	ssyncset.done $0x0  }
0x3f: {  	[sflag:s12] =	ssyncadd.s32 $0xFFFFD800  }
0x40: {  	_ =	sfence.sel $0x180000  }
0x41: {  	[bflag:$0x0] =	sbarrier.arrive $0xFFFF  }
0x42: {  	p0 =	sne.s32 s2, $0x0;
	_ =	strace $0x90000047  }
0x43: {  	s0 =	sadd.s32 @!p0 $0x100000, s0;
	[bflag:$0x2] =	sbarrier.arrive $0xFFFF  }
0x44: {  	[sflag:s0] =	ssyncadd.tile.s32 @!p0 $0x1;
	_ =	shalt  }
.Lfunc_end2:
_tile_overlayer_lowered:
.L_overlay_start_2:
0x45: {  	(tag) =	ssettag $0x2  }
0x46: {  	s0 =	rddreg [dreg:$0x0];
	s2 =	stileid.u32  }
0x47: {  	s1 =	rddreg [dreg:$0x1];
	p0 =	sne.s32 s2, $0x0  }
0x48: {  	s3 =	rddreg [dreg:$0x2];
	[bflag:$0x3] =	sbarrier.arrive $0xFFFF;
	s2 =	simm.s32 @!p0 $0x1C01  }
0x49: {  	[timem:s3], [sflag:s2] =	dma.local @!p0 [hbm:s0], s1  }
0x4a: {  	s0 =	simm.s32 @!p0 $0x1  }
0x4b: {  	_ =	swait.ge @!p0 [sflag:s0], s1  }
0x4c: {  	s1 =	ssub.s32 @!p0 $0x0, s1;
	[sflag:s0] =	ssyncset.done @!p0 $0x0  }
0x4d: {  	[sflag:s0] =	ssyncadd.s32 @!p0 s1  }
0x4e: {  	[bflag:$0x3] =	sbarrier.arrive $0xFFFF  }
0x4f: {  	_ =	shalt  }

</sc_bundles>
